<compile_context>
chip_gen: v7x
topology: tpu7x:2x2x1
jax: 0.10.2.dev20260603
libtpu: 0.0.44.dev20260713+nightly
codegen_flags: <defaults>
</compile_context>

<pallas_src>
import functools
import jax
import jax.numpy as jnp
import numpy as np
from jax import lax
from jax.experimental import pallas as pl
from jax.experimental.pallas import tpu as pltpu
from jax.experimental.pallas import tpu_sc as plsc

_HIDDEN = 32
_FRAC = 0.35
_MIN_K = 6
_B = 64
_T = 8192
_D = 128
_CHUNK = 1024
_NCH = _T // _CHUNK

_INT_MIN = np.int32(-2147483648)
_KEY_NEG_INF = np.int32(-2139095041)

_GCH = 128


def _score_kernel(nb_ref, len_ref, x_ref, W1_ref, b1_ref, W2_ref, key_ref):
    b = pl.program_id(0)
    c = pl.program_id(1)
    l = len_ref[b]

    @pl.when(l > c * _CHUNK)
    def _():
        xc = x_ref[0]
        h = jnp.tanh(
            jnp.dot(xc, W1_ref[...], preferred_element_type=jnp.float32)
            + b1_ref[...]
        )
        sc = jnp.dot(h, W2_ref[...], preferred_element_type=jnp.float32)
        s2 = sc.reshape(8, 128)
        i = lax.bitcast_convert_type(s2, jnp.int32)
        skey = i ^ (lax.shift_right_arithmetic(i, 31) & jnp.int32(0x7FFFFFFF))
        key_ref[0, 0] = skey


def _radix_kernel(len_ref, key_ref, prm_ref, kf_ref):
    sk = key_ref[...].reshape(_B, _T // 128, 128)
    g = lax.broadcasted_iota(jnp.int32, (_B, _T // 128, 128), 1)
    lane = lax.broadcasted_iota(jnp.int32, (_B, _T // 128, 128), 2)
    t = g * 128 + lane
    lv = len_ref[...]
    lcol = lv.reshape(_B, 1, 1)
    sk = jnp.where(t < lcol, sk, jnp.int32(_KEY_NEG_INF))
    lf = lv.astype(jnp.float32) * jnp.float32(_FRAC)
    ki = lf.astype(jnp.int32)
    ki = ki + (ki.astype(jnp.float32) < lf).astype(jnp.int32)
    k = jnp.clip(ki, _MIN_K, _T)

    p = jnp.zeros((_B, 1), jnp.int32)
    for bit in range(31, -1, -1):
        cpat = p | (jnp.int32(1) << bit)
        cval = cpat ^ jnp.int32(_INT_MIN)
        cmp = (sk >= cval[:, :, None]).astype(jnp.int32)
        cnt = jnp.sum(jnp.sum(cmp, axis=1), axis=1, keepdims=True)
        p = jnp.where(cnt >= k, cpat, p)
    theta = p ^ jnp.int32(_INT_MIN)

    cgt = jnp.sum(
        jnp.sum((sk > theta[:, :, None]).astype(jnp.int32), axis=1),
        axis=1, keepdims=True,
    )
    m = k - cgt

    ones16 = jnp.ones((1, 16), jnp.int32)
    prm_ref[:, 0:16] = theta * ones16
    prm_ref[:, 16:32] = m * ones16
    prm_ref[:, 32:48] = lv * ones16
    kf_ref[...] = k.astype(jnp.float32) * jnp.ones((1, 16), jnp.float32)


def _sc_pool_kernel(key_hbm, prm_hbm, kf_hbm, xflat_hbm, out_hbm,
                    key_v, idx_v, rows_v, prm_v, kf_v, out_v, sem):
    wid = lax.axis_index("s") * 2 + lax.axis_index("c")

    for rb in range(2):
        b = wid + rb * 32
        pltpu.sync_copy(key_hbm.at[b], key_v)
        pltpu.sync_copy(prm_hbm.at[b], prm_v)
        pltpu.sync_copy(kf_hbm.at[b], kf_v)
        thv = prm_v[pl.ds(0, 16)]
        mv = prm_v[pl.ds(16, 16)]
        lv = prm_v[pl.ds(32, 16)]
        base = b * _T

        def filt(i, carry):
            off, eqc, last_idx = carry
            kv = key_v[pl.ds(i * 16, 16)]
            tvec = lax.iota(jnp.int32, 16) + i * 16
            kve = jnp.where(tvec < lv, kv, jnp.int32(_KEY_NEG_INF))
            gt = kve > thv
            eq = kve == thv
            eqi = eq.astype(jnp.int32)
            rank = plsc.cumsum(eqi) - eqi + eqc
            sel = gt | (eq & (rank < mv))
            gidx = tvec + base
            plsc.store_compressed(idx_v.at[pl.ds(off, 16)], gidx, mask=sel)
            nsel = jnp.sum(sel.astype(jnp.int32))
            neq = jnp.sum(eqi)
            li = jnp.max(jnp.where(sel, gidx, jnp.int32(-1)))
            return (off + nsel, eqc + neq, jnp.maximum(last_idx, li))

        off, _, last_idx = lax.fori_loop(
            0, _T // 16, filt, (jnp.int32(0), jnp.int32(0), jnp.int32(-1))
        )

        splat_last = jnp.full((16,), 1, jnp.int32) * last_idx
        for j in range(_GCH // 16):
            idx_v[pl.ds(off + j * 16, 16)] = splat_last

        nch = (off + _GCH - 1) // _GCH

        def gather_chunk(ci, accs):
            pltpu.async_copy(
                xflat_hbm.at[idx_v.at[pl.ds(ci * _GCH, _GCH)]], rows_v, sem
            ).wait()

            def addrow(r, accs2):
                row = tuple(
                    accs2[d] + rows_v[r, pl.ds(d * 16, 16)] for d in range(8)
                )
                return row

            return lax.fori_loop(0, _GCH, addrow, accs)

        acc0 = tuple(jnp.zeros((16,), jnp.float32) for _ in range(8))
        accs = lax.fori_loop(0, nch, gather_chunk, acc0)

        pad = (nch * _GCH - off).astype(jnp.float32)
        kf = kf_v[...]
        for d in range(8):
            corr = rows_v[_GCH - 1, pl.ds(d * 16, 16)] * pad
            out_v[pl.ds(d * 16, 16)] = (accs[d] - corr) / kf

        pltpu.sync_copy(out_v, out_hbm.at[b])


def _stages12(x, lengths, W1, b1, W2):
    B, T, D = x.shape
    b1r = b1.reshape(1, _HIDDEN).astype(jnp.float32)
    nb = jnp.clip((lengths + _CHUNK - 1) // _CHUNK, 1, _NCH)

    keys = pl.pallas_call(
        _score_kernel,
        grid_spec=pltpu.PrefetchScalarGridSpec(
            num_scalar_prefetch=1,
            grid=(B, _NCH),
            in_specs=[
                pl.BlockSpec(memory_space=pltpu.SMEM),
                pl.BlockSpec(
                    (1, _CHUNK, D),
                    lambda b, c, nb_ref: (b, jnp.minimum(c, nb_ref[b] - 1), 0),
                ),
                pl.BlockSpec((D, _HIDDEN), lambda b, c, nb_ref: (0, 0)),
                pl.BlockSpec((1, _HIDDEN), lambda b, c, nb_ref: (0, 0)),
                pl.BlockSpec((_HIDDEN, 1), lambda b, c, nb_ref: (0, 0)),
            ],
            out_specs=pl.BlockSpec(
                (1, 1, 8, 128), lambda b, c, nb_ref: (b, c, 0, 0)
            ),
        ),
        out_shape=jax.ShapeDtypeStruct((B, _NCH, 8, 128), jnp.int32),
    )(nb, lengths, x, W1, b1r, W2)

    prm, kf = pl.pallas_call(
        _radix_kernel,
        in_specs=[
            pl.BlockSpec((B, 1), lambda: (0, 0)),
            pl.BlockSpec((B, _NCH, 8, 128), lambda: (0, 0, 0, 0)),
        ],
        out_specs=[
            pl.BlockSpec((B, 48), lambda: (0, 0)),
            pl.BlockSpec((B, 16), lambda: (0, 0)),
        ],
        out_shape=[
            jax.ShapeDtypeStruct((B, 48), jnp.int32),
            jax.ShapeDtypeStruct((B, 16), jnp.float32),
        ],
    )(lengths.reshape(B, 1), keys)
    return keys, prm, kf


def kernel(x, lengths, W1, b1, W2):
    B, T, D = x.shape
    lengths = lengths.astype(jnp.int32)
    keys, prm, kf = _stages12(x, lengths, W1, b1, W2)

    keys_flat = keys.reshape(B, T)
    xflat = x.reshape(B * T, D)

    mesh = plsc.VectorSubcoreMesh(core_axis_name="c", subcore_axis_name="s")
    pooled = pl.kernel(
        _sc_pool_kernel,
        mesh=mesh,
        compiler_params=pltpu.CompilerParams(needs_layout_passes=False),
        out_type=jax.ShapeDtypeStruct((B, D), jnp.float32),
        scratch_types=[
            pltpu.VMEM((T,), jnp.int32),
            pltpu.VMEM((4096 + _GCH,), jnp.int32),
            pltpu.VMEM((_GCH, D), jnp.float32),
            pltpu.VMEM((48,), jnp.int32),
            pltpu.VMEM((16,), jnp.float32),
            pltpu.VMEM((D,), jnp.float32),
            pltpu.SemaphoreType.DMA,
        ],
    )(keys_flat, prm, kf, xflat)
    return pooled

# --- scband reference (transcript-rebuilt; emitter-appended) ---
"""Pipeline reference for scband-masked-top-kattn-pool-40853728920173 (READ-ONLY COPY).

The authoritative reference and input builder live on the scoring server;
editing this copy changes nothing except your own understanding.
"""

import jax, jax.numpy as jnp
import numpy as np

IN_DIM = 128
HIDDEN = 32
FRAC = 0.35
MIN_K = 6
B = 64
T = 8192


def setup_inputs(seed: int = 0) -> dict:
    key = jax.random.key(seed)
    k1, k2, k3, k4 = jax.random.split(key, 4)
    x = jax.random.normal(k1, (B, T, IN_DIM), dtype=jnp.float32)
    lengths = jax.random.randint(k2, (B,), 0, T)
    W1 = jax.random.normal(k3, (IN_DIM, HIDDEN), dtype=jnp.float32) * (1.0 / np.sqrt(IN_DIM))
    b1 = jnp.zeros((HIDDEN,), dtype=jnp.float32)
    W2 = jax.random.normal(k4, (HIDDEN, 1), dtype=jnp.float32) * (1.0 / np.sqrt(HIDDEN))
    return {"x": x, "lengths": lengths, "W1": W1, "b1": b1, "W2": W2}


def reference(x, lengths, W1, b1, W2):
    Bb, Tt, D = x.shape
    mask = jnp.arange(Tt)[None, :] < lengths[:, None]
    h = jnp.tanh(x @ W1 + b1)
    scores = jnp.squeeze(h @ W2, axis=-1)
    scores = jnp.where(mask, scores, -jnp.inf)
    k = jnp.clip(jnp.ceil(lengths.astype(jnp.float32) * FRAC), MIN_K, Tt).astype(jnp.int32)
    maxk = Tt
    topk_vals, topk_idx = jax.lax.top_k(scores, maxk)
    ar = jnp.arange(maxk)[None, :]
    use = (ar < k[:, None]).astype(jnp.float32)
    topk_x = jnp.take_along_axis(x, topk_idx[:, :, None], axis=1)
    denom = jnp.maximum(use.sum(axis=1, keepdims=True), 1.0)
    pooled = (topk_x * use[:, :, None]).sum(axis=1) / denom
    return pooled

if __name__ == "__main__":
    import jax
    _d = setup_inputs()
    print(jax.jit(kernel)(*tuple(_d.values())))

</pallas_src>

<mosaic_0001>
#map = affine_map<(d0, d1) -> (0, 0)>
module attributes {stable_mosaic.version = 14 : i64} {
  func.func @_sc_pool_kernel(%arg0: i32, %arg1: i32, %arg2: memref<64x8192xi32, #tpu.memory_space<hbm>>, %arg3: memref<64x48xi32, #tpu.memory_space<hbm>>, %arg4: memref<64x16xf32, #tpu.memory_space<hbm>>, %arg5: memref<524288x128xf32, #tpu.memory_space<hbm>>, %arg6: memref<64x128xf32, #tpu.memory_space<hbm>>, %arg7: memref<8192xi32, #tpu.memory_space<vmem>>, %arg8: memref<4224xi32, #tpu.memory_space<vmem>>, %arg9: memref<128x128xf32, #tpu.memory_space<vmem>>, %arg10: memref<48xi32, #tpu.memory_space<vmem>>, %arg11: memref<16xf32, #tpu.memory_space<vmem>>, %arg12: memref<128xf32, #tpu.memory_space<vmem>>, %arg13: memref<!tpu.dma_semaphore, #tpu.memory_space<semaphore_mem>>) attributes {dimension_semantics = [#tpu.dimension_semantics<core_parallel>, #tpu.dimension_semantics<subcore_parallel>], iteration_bounds = array<i64: 2, 16>, scalar_prefetch = 0 : i64, scratch_operands = 7 : i64, tpu.core_type = #tpu.core_type<sc_vector_subcore>, window_params = [{transform_indices = #map}, {transform_indices = #map}, {transform_indices = #map}, {transform_indices = #map}, {transform_indices = #map}]} {
    %mul3A = arith.constant 2 : i32
    %mul3A_0 = arith.muli %arg1, %mul3A : i32
    %add3A = arith.addi %mul3A_0, %arg0 : i32
    %add3A_1 = arith.constant 0 : i32
    %add3A_2 = arith.addi %add3A, %add3A_1 : i32
    "tpu.region"() ({
      %run_scoped3A = tpu.sem_alloc : memref<!tpu.dma_semaphore, #tpu.memory_space<semaphore_mem>>
      %dma_start3A = arith.constant 0 : i32
      %dma_start3A_379 = tpu.memref_slice %arg2[%add3A_2, %dma_start3A] : memref<64x8192xi32, #tpu.memory_space<hbm>> -> memref<1x8192xi32, #tpu.memory_space<hbm>>
      %dma_start3A_380 = tpu.memref_squeeze %dma_start3A_379 : memref<1x8192xi32, #tpu.memory_space<hbm>> -> memref<8192xi32, #tpu.memory_space<hbm>>
      %dma_start3A_381 = arith.constant 0 : i32
      %dma_start3A_382 = tpu.memref_slice %arg2[%add3A_2, %dma_start3A_381] : memref<64x8192xi32, #tpu.memory_space<hbm>> -> memref<1x8192xi32, #tpu.memory_space<hbm>>
      %dma_start3A_383 = tpu.memref_squeeze %dma_start3A_382 : memref<1x8192xi32, #tpu.memory_space<hbm>> -> memref<8192xi32, #tpu.memory_space<hbm>>
      tpu.enqueue_dma source(%dma_start3A_383 : memref<8192xi32, #tpu.memory_space<hbm>>) target(%arg7 : memref<8192xi32, #tpu.memory_space<vmem>>) target_semaphore(%run_scoped3A : memref<!tpu.dma_semaphore, #tpu.memory_space<semaphore_mem>>)
      %dma_wait3A = arith.constant 0 : i32
      %dma_wait3A_384 = tpu.memref_slice %arg2[%add3A_2, %dma_wait3A] : memref<64x8192xi32, #tpu.memory_space<hbm>> -> memref<1x8192xi32, #tpu.memory_space<hbm>>
      %dma_wait3A_385 = tpu.memref_squeeze %dma_wait3A_384 : memref<1x8192xi32, #tpu.memory_space<hbm>> -> memref<8192xi32, #tpu.memory_space<hbm>>
      %dma_wait3A_386 = arith.constant 0 : i32
      %dma_wait3A_387 = tpu.memref_slice %arg2[%add3A_2, %dma_wait3A_386] : memref<64x8192xi32, #tpu.memory_space<hbm>> -> memref<1x8192xi32, #tpu.memory_space<hbm>>
      %dma_wait3A_388 = tpu.memref_squeeze %dma_wait3A_387 : memref<1x8192xi32, #tpu.memory_space<hbm>> -> memref<8192xi32, #tpu.memory_space<hbm>>
      tpu.wait_dma2 semaphore(%run_scoped3A : memref<!tpu.dma_semaphore, #tpu.memory_space<semaphore_mem>>) src(%dma_wait3A_388 : memref<8192xi32, #tpu.memory_space<hbm>>) dst(%arg7 : memref<8192xi32, #tpu.memory_space<vmem>>)
      tpu.yield
    }) : () -> ()
    "tpu.region"() ({
      %run_scoped3A = tpu.sem_alloc : memref<!tpu.dma_semaphore, #tpu.memory_space<semaphore_mem>>
      %dma_start3A = arith.constant 0 : i32
      %dma_start3A_379 = tpu.memref_slice %arg3[%add3A_2, %dma_start3A] : memref<64x48xi32, #tpu.memory_space<hbm>> -> memref<1x48xi32, #tpu.memory_space<hbm>>
      %dma_start3A_380 = tpu.memref_squeeze %dma_start3A_379 : memref<1x48xi32, #tpu.memory_space<hbm>> -> memref<48xi32, #tpu.memory_space<hbm>>
      %dma_start3A_381 = arith.constant 0 : i32
      %dma_start3A_382 = tpu.memref_slice %arg3[%add3A_2, %dma_start3A_381] : memref<64x48xi32, #tpu.memory_space<hbm>> -> memref<1x48xi32, #tpu.memory_space<hbm>>
      %dma_start3A_383 = tpu.memref_squeeze %dma_start3A_382 : memref<1x48xi32, #tpu.memory_space<hbm>> -> memref<48xi32, #tpu.memory_space<hbm>>
      tpu.enqueue_dma source(%dma_start3A_383 : memref<48xi32, #tpu.memory_space<hbm>>) target(%arg10 : memref<48xi32, #tpu.memory_space<vmem>>) target_semaphore(%run_scoped3A : memref<!tpu.dma_semaphore, #tpu.memory_space<semaphore_mem>>)
      %dma_wait3A = arith.constant 0 : i32
      %dma_wait3A_384 = tpu.memref_slice %arg3[%add3A_2, %dma_wait3A] : memref<64x48xi32, #tpu.memory_space<hbm>> -> memref<1x48xi32, #tpu.memory_space<hbm>>
      %dma_wait3A_385 = tpu.memref_squeeze %dma_wait3A_384 : memref<1x48xi32, #tpu.memory_space<hbm>> -> memref<48xi32, #tpu.memory_space<hbm>>
      %dma_wait3A_386 = arith.constant 0 : i32
      %dma_wait3A_387 = tpu.memref_slice %arg3[%add3A_2, %dma_wait3A_386] : memref<64x48xi32, #tpu.memory_space<hbm>> -> memref<1x48xi32, #tpu.memory_space<hbm>>
      %dma_wait3A_388 = tpu.memref_squeeze %dma_wait3A_387 : memref<1x48xi32, #tpu.memory_space<hbm>> -> memref<48xi32, #tpu.memory_space<hbm>>
      tpu.wait_dma2 semaphore(%run_scoped3A : memref<!tpu.dma_semaphore, #tpu.memory_space<semaphore_mem>>) src(%dma_wait3A_388 : memref<48xi32, #tpu.memory_space<hbm>>) dst(%arg10 : memref<48xi32, #tpu.memory_space<vmem>>)
      tpu.yield
    }) : () -> ()
    "tpu.region"() ({
      %run_scoped3A = tpu.sem_alloc : memref<!tpu.dma_semaphore, #tpu.memory_space<semaphore_mem>>
      %dma_start3A = arith.constant 0 : i32
      %dma_start3A_379 = tpu.memref_slice %arg4[%add3A_2, %dma_start3A] : memref<64x16xf32, #tpu.memory_space<hbm>> -> memref<1x16xf32, #tpu.memory_space<hbm>>
      %dma_start3A_380 = tpu.memref_squeeze %dma_start3A_379 : memref<1x16xf32, #tpu.memory_space<hbm>> -> memref<16xf32, #tpu.memory_space<hbm>>
      %dma_start3A_381 = arith.constant 0 : i32
      %dma_start3A_382 = tpu.memref_slice %arg4[%add3A_2, %dma_start3A_381] : memref<64x16xf32, #tpu.memory_space<hbm>> -> memref<1x16xf32, #tpu.memory_space<hbm>>
      %dma_start3A_383 = tpu.memref_squeeze %dma_start3A_382 : memref<1x16xf32, #tpu.memory_space<hbm>> -> memref<16xf32, #tpu.memory_space<hbm>>
      tpu.enqueue_dma source(%dma_start3A_383 : memref<16xf32, #tpu.memory_space<hbm>>) target(%arg11 : memref<16xf32, #tpu.memory_space<vmem>>) target_semaphore(%run_scoped3A : memref<!tpu.dma_semaphore, #tpu.memory_space<semaphore_mem>>)
      %dma_wait3A = arith.constant 0 : i32
      %dma_wait3A_384 = tpu.memref_slice %arg4[%add3A_2, %dma_wait3A] : memref<64x16xf32, #tpu.memory_space<hbm>> -> memref<1x16xf32, #tpu.memory_space<hbm>>
      %dma_wait3A_385 = tpu.memref_squeeze %dma_wait3A_384 : memref<1x16xf32, #tpu.memory_space<hbm>> -> memref<16xf32, #tpu.memory_space<hbm>>
      %dma_wait3A_386 = arith.constant 0 : i32
      %dma_wait3A_387 = tpu.memref_slice %arg4[%add3A_2, %dma_wait3A_386] : memref<64x16xf32, #tpu.memory_space<hbm>> -> memref<1x16xf32, #tpu.memory_space<hbm>>
      %dma_wait3A_388 = tpu.memref_squeeze %dma_wait3A_387 : memref<1x16xf32, #tpu.memory_space<hbm>> -> memref<16xf32, #tpu.memory_space<hbm>>
      tpu.wait_dma2 semaphore(%run_scoped3A : memref<!tpu.dma_semaphore, #tpu.memory_space<semaphore_mem>>) src(%dma_wait3A_388 : memref<16xf32, #tpu.memory_space<hbm>>) dst(%arg11 : memref<16xf32, #tpu.memory_space<vmem>>)
      tpu.yield
    }) : () -> ()
    %get3A = arith.constant 0 : index
    %get3A_3 = tpu.vector_load %arg10[%get3A] {strides = array<i32>} : memref<48xi32, #tpu.memory_space<vmem>>, vector<16xi32>,
    %get3A_4 = arith.constant 16 : index
    %get3A_5 = tpu.vector_load %arg10[%get3A_4] {strides = array<i32>} : memref<48xi32, #tpu.memory_space<vmem>>, vector<16xi32>,
    %get3A_6 = arith.constant 32 : index
    %get3A_7 = tpu.vector_load %arg10[%get3A_6] {strides = array<i32>} : memref<48xi32, #tpu.memory_space<vmem>>, vector<16xi32>,
    %mul3A_8 = arith.constant 8192 : i32
    %mul3A_9 = arith.muli %add3A_2, %mul3A_8 : i32
    %scan3A = arith.constant 0 : i32
    %scan3A_10 = arith.constant 0 : i32
    %scan3A_11 = arith.constant -1 : i32
    %scan3A_12 = arith.constant 0 : i32
    %scan3A_13 = arith.constant 512 : i32
    %scan3A_14 = arith.addi %scan3A_12, %scan3A_13 : i32
    %scan3A_15 = arith.constant 1 : i32
    %scan3A_16:3 = scf.for %scan3A_379 = %scan3A_12 to %scan3A_14 step %scan3A_15 iter_args(%scan3A_380 = %scan3A, %scan3A_381 = %scan3A_10, %scan3A_382 = %scan3A_11) -> (i32, i32, i32)  : i32 {
      %mul3A_383 = arith.constant 16 : i32
      %mul3A_384 = arith.muli %scan3A_379, %mul3A_383 : i32
      %get3A_385 = arith.index_cast %mul3A_384 : i32 to index
      %get3A_386 = tpu.vector_load %arg7[%get3A_385] {strides = array<i32>} : memref<8192xi32, #tpu.memory_space<vmem>>, vector<16xi32>,
      %iota3A = tpu.iota {dimensions = array<i32: 0>} : vector<16xi32>
      %mul3A_387 = arith.constant 16 : i32
      %mul3A_388 = arith.muli %scan3A_379, %mul3A_387 : i32
      %add3A_389 = vector.broadcast %mul3A_388 : i32 to vector<16xi32>
      %add3A_390 = arith.addi %iota3A, %add3A_389 : vector<16xi32>
      %lt3A = arith.cmpi slt, %add3A_390, %get3A_7 : vector<16xi32>
      %jit3A_391 = arith.constant -2139095041 : i32
      %broadcast_in_dim3A_392 = vector.broadcast %jit3A_391 : i32 to vector<16xi32>
      %select_n3A_393 = arith.select %lt3A, %get3A_386, %broadcast_in_dim3A_392 : vector<16xi1>, vector<16xi32>
      %gt3A = arith.cmpi sgt, %select_n3A_393, %get3A_3 : vector<16xi32>
      %eq3A = arith.cmpi eq, %select_n3A_393, %get3A_3 : vector<16xi32>
      %convert_element_type3A_394 = arith.extui %eq3A : vector<16xi1> to vector<16xi32>
      %broadcast_in_dim3A_395 = arith.constant true
      %broadcast_in_dim3A_396 = vector.broadcast %broadcast_in_dim3A_395 : i1 to vector<16xi1>
      %masked_cumsum3A = tpu.scan <sum>, %convert_element_type3A_394 masked %broadcast_in_dim3A_396 : vector<16xi32>, vector<16xi1> -> vector<16xi32>
      %sub3A_397 = arith.subi %masked_cumsum3A, %convert_element_type3A_394 : vector<16xi32>
      %add3A_398 = vector.broadcast %scan3A_381 : i32 to vector<16xi32>
      %add3A_399 = arith.addi %sub3A_397, %add3A_398 : vector<16xi32>
      %lt3A_400 = arith.cmpi slt, %add3A_399, %get3A_5 : vector<16xi32>
      %and3A_401 = arith.andi %eq3A, %lt3A_400 : vector<16xi1>
      %or3A = arith.ori %gt3A, %and3A_401 : vector<16xi1>
      %add3A_402 = vector.broadcast %mul3A_9 : i32 to vector<16xi32>
      %add3A_403 = arith.addi %add3A_390, %add3A_402 : vector<16xi32>
      %swap3A_404 = arith.index_cast %scan3A_380 : i32 to index
      %swap3A_405 = tpu.vector_load %arg8[%swap3A_404] masked %or3A {strides = array<i32>} : memref<4224xi32, #tpu.memory_space<vmem>>, vector<16xi32>, vector<16xi1>
      tpu.vector_store %arg8[%swap3A_404], %add3A_403 masked %or3A {strides = array<i32>} : memref<4224xi32, #tpu.memory_space<vmem>>, vector<16xi32>, vector<16xi1>
      %convert_element_type3A_406 = arith.extui %or3A : vector<16xi1> to vector<16xi32>
      %reduce_sum3A = arith.constant true
      %reduce_sum3A_407 = vector.broadcast %reduce_sum3A : i1 to vector<16xi1>
      %reduce_sum3A_408 = tpu.scan <sum>, %convert_element_type3A_406 masked %reduce_sum3A_407 : vector<16xi32>, vector<16xi1> -> vector<16xi32>
      %reduce_sum3A_409 = vector.extract %reduce_sum3A_408[15] : i32 from vector<16xi32>
      %reduce_sum3A_410 = arith.constant true
      %reduce_sum3A_411 = vector.broadcast %reduce_sum3A_410 : i1 to vector<16xi1>
      %reduce_sum3A_412 = tpu.scan <sum>, %convert_element_type3A_394 masked %reduce_sum3A_411 : vector<16xi32>, vector<16xi1> -> vector<16xi32>
      %reduce_sum3A_413 = vector.extract %reduce_sum3A_412[15] : i32 from vector<16xi32>
      %jit3A_414 = arith.constant -1 : i32
      %broadcast_in_dim3A_415 = vector.broadcast %jit3A_414 : i32 to vector<16xi32>
      %select_n3A_416 = arith.select %or3A, %add3A_403, %broadcast_in_dim3A_415 : vector<16xi1>, vector<16xi32>
      %reduce_max3A = arith.constant true
      %reduce_max3A_417 = vector.broadcast %reduce_max3A : i1 to vector<16xi1>
      %reduce_max3A_418 = arith.constant -2147483648 : i32
      %reduce_max3A_419 = vector.broadcast %reduce_max3A_418 : i32 to vector<16xi32>
      %reduce_max3A_420 = arith.xori %select_n3A_416, %reduce_max3A_419 : vector<16xi32>
      %reduce_max3A_421 = tpu.scan <max>, %reduce_max3A_420 masked %reduce_max3A_417 : vector<16xi32>, vector<16xi1> -> vector<16xi32>
      %reduce_max3A_422 = arith.xori %reduce_max3A_421, %reduce_max3A_419 : vector<16xi32>
      %reduce_max3A_423 = vector.extract %reduce_max3A_422[15] : i32 from vector<16xi32>
      %add3A_424 = arith.addi %scan3A_380, %reduce_sum3A_409 : i32
      %add3A_425 = arith.addi %scan3A_381, %reduce_sum3A_413 : i32
      %max3A = arith.maxsi %scan3A_382, %reduce_max3A_423 : i32
      scf.yield %add3A_424, %add3A_425, %max3A : i32, i32, i32
    }
    %scan3A_17 = arith.constant 512 : i32
    %broadcast_in_dim3A = arith.constant 1 : i32
    %broadcast_in_dim3A_18 = vector.broadcast %broadcast_in_dim3A : i32 to vector<16xi32>
    %mul3A_19 = vector.broadcast %scan3A_16#2 : i32 to vector<16xi32>
    %mul3A_20 = arith.muli %broadcast_in_dim3A_18, %mul3A_19 : vector<16xi32>
    %add3A_21 = arith.constant 0 : i32
    %add3A_22 = arith.addi %scan3A_16#0, %add3A_21 : i32
    %swap3A = arith.index_cast %add3A_22 : i32 to index
    %swap3A_23 = tpu.vector_load %arg8[%swap3A] {strides = array<i32>} : memref<4224xi32, #tpu.memory_space<vmem>>, vector<16xi32>,
    tpu.vector_store %arg8[%swap3A], %mul3A_20 {strides = array<i32>} : memref<4224xi32, #tpu.memory_space<vmem>>, vector<16xi32>,
    %add3A_24 = arith.constant 16 : i32
    %add3A_25 = arith.addi %scan3A_16#0, %add3A_24 : i32
    %swap3A_26 = arith.index_cast %add3A_25 : i32 to index
    %swap3A_27 = tpu.vector_load %arg8[%swap3A_26] {strides = array<i32>} : memref<4224xi32, #tpu.memory_space<vmem>>, vector<16xi32>,
    tpu.vector_store %arg8[%swap3A_26], %mul3A_20 {strides = array<i32>} : memref<4224xi32, #tpu.memory_space<vmem>>, vector<16xi32>,
    %add3A_28 = arith.constant 32 : i32
    %add3A_29 = arith.addi %scan3A_16#0, %add3A_28 : i32
    %swap3A_30 = arith.index_cast %add3A_29 : i32 to index
    %swap3A_31 = tpu.vector_load %arg8[%swap3A_30] {strides = array<i32>} : memref<4224xi32, #tpu.memory_space<vmem>>, vector<16xi32>,
    tpu.vector_store %arg8[%swap3A_30], %mul3A_20 {strides = array<i32>} : memref<4224xi32, #tpu.memory_space<vmem>>, vector<16xi32>,
    %add3A_32 = arith.constant 48 : i32
    %add3A_33 = arith.addi %scan3A_16#0, %add3A_32 : i32
    %swap3A_34 = arith.index_cast %add3A_33 : i32 to index
    %swap3A_35 = tpu.vector_load %arg8[%swap3A_34] {strides = array<i32>} : memref<4224xi32, #tpu.memory_space<vmem>>, vector<16xi32>,
    tpu.vector_store %arg8[%swap3A_34], %mul3A_20 {strides = array<i32>} : memref<4224xi32, #tpu.memory_space<vmem>>, vector<16xi32>,
    %add3A_36 = arith.constant 64 : i32
    %add3A_37 = arith.addi %scan3A_16#0, %add3A_36 : i32
    %swap3A_38 = arith.index_cast %add3A_37 : i32 to index
    %swap3A_39 = tpu.vector_load %arg8[%swap3A_38] {strides = array<i32>} : memref<4224xi32, #tpu.memory_space<vmem>>, vector<16xi32>,
    tpu.vector_store %arg8[%swap3A_38], %mul3A_20 {strides = array<i32>} : memref<4224xi32, #tpu.memory_space<vmem>>, vector<16xi32>,
    %add3A_40 = arith.constant 80 : i32
    %add3A_41 = arith.addi %scan3A_16#0, %add3A_40 : i32
    %swap3A_42 = arith.index_cast %add3A_41 : i32 to index
    %swap3A_43 = tpu.vector_load %arg8[%swap3A_42] {strides = array<i32>} : memref<4224xi32, #tpu.memory_space<vmem>>, vector<16xi32>,
    tpu.vector_store %arg8[%swap3A_42], %mul3A_20 {strides = array<i32>} : memref<4224xi32, #tpu.memory_space<vmem>>, vector<16xi32>,
    %add3A_44 = arith.constant 96 : i32
    %add3A_45 = arith.addi %scan3A_16#0, %add3A_44 : i32
    %swap3A_46 = arith.index_cast %add3A_45 : i32 to index
    %swap3A_47 = tpu.vector_load %arg8[%swap3A_46] {strides = array<i32>} : memref<4224xi32, #tpu.memory_space<vmem>>, vector<16xi32>,
    tpu.vector_store %arg8[%swap3A_46], %mul3A_20 {strides = array<i32>} : memref<4224xi32, #tpu.memory_space<vmem>>, vector<16xi32>,
    %add3A_48 = arith.constant 112 : i32
    %add3A_49 = arith.addi %scan3A_16#0, %add3A_48 : i32
    %swap3A_50 = arith.index_cast %add3A_49 : i32 to index
    %swap3A_51 = tpu.vector_load %arg8[%swap3A_50] {strides = array<i32>} : memref<4224xi32, #tpu.memory_space<vmem>>, vector<16xi32>,
    tpu.vector_store %arg8[%swap3A_50], %mul3A_20 {strides = array<i32>} : memref<4224xi32, #tpu.memory_space<vmem>>, vector<16xi32>,
    %add3A_52 = arith.constant 128 : i32
    %add3A_53 = arith.addi %scan3A_16#0, %add3A_52 : i32
    %sub3A = arith.constant 1 : i32
    %sub3A_54 = arith.subi %add3A_53, %sub3A : i32
    %jit3A = arith.constant 128 : i32
    %div3A = arith.divsi %sub3A_54, %jit3A : i32
    %sign3A = arith.constant 0 : i32
    %sign3A_55 = arith.cmpi sgt, %sub3A_54, %sign3A : i32
    %sign3A_56 = arith.extui %sign3A_55 : i1 to i32
    %sign3A_57 = arith.constant 0 : i32
    %sign3A_58 = arith.cmpi slt, %sub3A_54, %sign3A_57 : i32
    %sign3A_59 = arith.extui %sign3A_58 : i1 to i32
    %sign3A_60 = arith.subi %sign3A_56, %sign3A_59 : i32
    %sign3A_61 = arith.constant 0 : i32
    %sign3A_62 = arith.cmpi sgt, %jit3A, %sign3A_61 : i32
    %sign3A_63 = arith.extui %sign3A_62 : i1 to i32
    %sign3A_64 = arith.constant 0 : i32
    %sign3A_65 = arith.cmpi slt, %jit3A, %sign3A_64 : i32
    %sign3A_66 = arith.extui %sign3A_65 : i1 to i32
    %sign3A_67 = arith.subi %sign3A_63, %sign3A_66 : i32
    %ne3A = arith.cmpi ne, %sign3A_60, %sign3A_67 : i32
    %rem3A = arith.remsi %sub3A_54, %jit3A : i32
    %ne3A_68 = arith.constant 0 : i32
    %ne3A_69 = arith.cmpi ne, %rem3A, %ne3A_68 : i32
    %and3A = arith.andi %ne3A, %ne3A_69 : i1
    %sub3A_70 = arith.constant 1 : i32
    %sub3A_71 = arith.subi %div3A, %sub3A_70 : i32
    %select_n3A = arith.select %and3A, %sub3A_71, %div3A : i32
    %broadcast_in_dim3A_72 = arith.constant 0.000000e+00 : f32
    %broadcast_in_dim3A_73 = vector.broadcast %broadcast_in_dim3A_72 : f32 to vector<16xf32>
    %broadcast_in_dim3A_74 = arith.constant 0.000000e+00 : f32
    %broadcast_in_dim3A_75 = vector.broadcast %broadcast_in_dim3A_74 : f32 to vector<16xf32>
    %broadcast_in_dim3A_76 = arith.constant 0.000000e+00 : f32
    %broadcast_in_dim3A_77 = vector.broadcast %broadcast_in_dim3A_76 : f32 to vector<16xf32>
    %broadcast_in_dim3A_78 = arith.constant 0.000000e+00 : f32
    %broadcast_in_dim3A_79 = vector.broadcast %broadcast_in_dim3A_78 : f32 to vector<16xf32>
    %broadcast_in_dim3A_80 = arith.constant 0.000000e+00 : f32
    %broadcast_in_dim3A_81 = vector.broadcast %broadcast_in_dim3A_80 : f32 to vector<16xf32>
    %broadcast_in_dim3A_82 = arith.constant 0.000000e+00 : f32
    %broadcast_in_dim3A_83 = vector.broadcast %broadcast_in_dim3A_82 : f32 to vector<16xf32>
    %broadcast_in_dim3A_84 = arith.constant 0.000000e+00 : f32
    %broadcast_in_dim3A_85 = vector.broadcast %broadcast_in_dim3A_84 : f32 to vector<16xf32>
    %broadcast_in_dim3A_86 = arith.constant 0.000000e+00 : f32
    %broadcast_in_dim3A_87 = vector.broadcast %broadcast_in_dim3A_86 : f32 to vector<16xf32>
    %while3A = arith.constant 0 : i32
    %while3A_88 = arith.subi %select_n3A, %while3A : i32
    %while3A_89 = arith.addi %while3A, %while3A_88 : i32
    %while3A_90 = arith.constant 1 : i32
    %while3A_91 = arith.divsi %while3A_88, %while3A_90 : i32
    %while3A_92 = arith.muli %while3A_91, %while3A_90 : i32
    %while3A_93 = arith.addi %while3A, %while3A_92 : i32
    %while3A_94 = arith.constant 1 : i32
    %while3A_95:8 = scf.for %while3A_379 = %while3A to %while3A_93 step %while3A_94 iter_args(%while3A_380 = %broadcast_in_dim3A_73, %while3A_381 = %broadcast_in_dim3A_75, %while3A_382 = %broadcast_in_dim3A_77, %while3A_383 = %broadcast_in_dim3A_79, %while3A_384 = %broadcast_in_dim3A_81, %while3A_385 = %broadcast_in_dim3A_83, %while3A_386 = %broadcast_in_dim3A_85, %while3A_387 = %broadcast_in_dim3A_87) -> (vector<16xf32>, vector<16xf32>, vector<16xf32>, vector<16xf32>, vector<16xf32>, vector<16xf32>, vector<16xf32>, vector<16xf32>)  : i32 {
      %mul3A_388 = arith.constant 128 : i32
      %mul3A_389 = arith.muli %while3A_379, %mul3A_388 : i32
      %dma_start3A = tpu.memref_slice %arg8[%mul3A_389] : memref<4224xi32, #tpu.memory_space<vmem>> -> memref<128xi32, #tpu.memory_space<vmem>>
      %dma_start3A_390 = arith.constant 0 : i32
      %dma_start3A_391 = arith.constant 0 : i32
      %dma_start3A_392 = tpu.memref_slice %arg5[%dma_start3A_390, %dma_start3A_391] : memref<524288x128xf32, #tpu.memory_space<hbm>> -> memref<524288x128xf32, #tpu.memory_space<hbm>>
      tpu.enqueue_indirect_dma source(%dma_start3A_392 : memref<524288x128xf32, #tpu.memory_space<hbm>>) target(%arg9 : memref<128x128xf32, #tpu.memory_space<vmem>>) offsets(%dma_start3A : memref<128xi32, #tpu.memory_space<vmem>>) semaphore(%arg13 : memref<!tpu.dma_semaphore, #tpu.memory_space<semaphore_mem>>)
      %dma_wait3A = tpu.memref_slice %arg8[%mul3A_389] : memref<4224xi32, #tpu.memory_space<vmem>> -> memref<128xi32, #tpu.memory_space<vmem>>
      %dma_wait3A_393 = arith.constant 0 : i32
      %dma_wait3A_394 = arith.constant 0 : i32
      %dma_wait3A_395 = tpu.memref_slice %arg5[%dma_wait3A_393, %dma_wait3A_394] : memref<524288x128xf32, #tpu.memory_space<hbm>> -> memref<524288x128xf32, #tpu.memory_space<hbm>>
      tpu.wait_indirect_dma semaphore(%arg13 : memref<!tpu.dma_semaphore, #tpu.memory_space<semaphore_mem>>) src(%dma_wait3A_395 : memref<524288x128xf32, #tpu.memory_space<hbm>>) dst(%arg9 : memref<128x128xf32, #tpu.memory_space<vmem>>)
      %scan3A_396 = arith.constant 0 : i32
      %scan3A_397 = arith.constant 128 : i32
      %scan3A_398 = arith.addi %scan3A_396, %scan3A_397 : i32
      %scan3A_399 = arith.constant 1 : i32
      %scan3A_400:8 = scf.for %scan3A_402 = %scan3A_396 to %scan3A_398 step %scan3A_399 iter_args(%scan3A_403 = %while3A_380, %scan3A_404 = %while3A_381, %scan3A_405 = %while3A_382, %scan3A_406 = %while3A_383, %scan3A_407 = %while3A_384, %scan3A_408 = %while3A_385, %scan3A_409 = %while3A_386, %scan3A_410 = %while3A_387) -> (vector<16xf32>, vector<16xf32>, vector<16xf32>, vector<16xf32>, vector<16xf32>, vector<16xf32>, vector<16xf32>, vector<16xf32>)  : i32 {
        %get3A_411 = arith.index_cast %scan3A_402 : i32 to index
        %get3A_412 = arith.constant 0 : index
        %get3A_413 = tpu.vector_load %arg9[%get3A_411, %get3A_412] {strides = array<i32>} : memref<128x128xf32, #tpu.memory_space<vmem>>, vector<16xf32>,
        %add3A_414 = arith.addf %scan3A_403, %get3A_413 : vector<16xf32>
        %get3A_415 = arith.index_cast %scan3A_402 : i32 to index
        %get3A_416 = arith.constant 16 : index
        %get3A_417 = tpu.vector_load %arg9[%get3A_415, %get3A_416] {strides = array<i32>} : memref<128x128xf32, #tpu.memory_space<vmem>>, vector<16xf32>,
        %add3A_418 = arith.addf %scan3A_404, %get3A_417 : vector<16xf32>
        %get3A_419 = arith.index_cast %scan3A_402 : i32 to index
        %get3A_420 = arith.constant 32 : index
        %get3A_421 = tpu.vector_load %arg9[%get3A_419, %get3A_420] {strides = array<i32>} : memref<128x128xf32, #tpu.memory_space<vmem>>, vector<16xf32>,
        %add3A_422 = arith.addf %scan3A_405, %get3A_421 : vector<16xf32>
        %get3A_423 = arith.index_cast %scan3A_402 : i32 to index
        %get3A_424 = arith.constant 48 : index
        %get3A_425 = tpu.vector_load %arg9[%get3A_423, %get3A_424] {strides = array<i32>} : memref<128x128xf32, #tpu.memory_space<vmem>>, vector<16xf32>,
        %add3A_426 = arith.addf %scan3A_406, %get3A_425 : vector<16xf32>
        %get3A_427 = arith.index_cast %scan3A_402 : i32 to index
        %get3A_428 = arith.constant 64 : index
        %get3A_429 = tpu.vector_load %arg9[%get3A_427, %get3A_428] {strides = array<i32>} : memref<128x128xf32, #tpu.memory_space<vmem>>, vector<16xf32>,
        %add3A_430 = arith.addf %scan3A_407, %get3A_429 : vector<16xf32>
        %get3A_431 = arith.index_cast %scan3A_402 : i32 to index
        %get3A_432 = arith.constant 80 : index
        %get3A_433 = tpu.vector_load %arg9[%get3A_431, %get3A_432] {strides = array<i32>} : memref<128x128xf32, #tpu.memory_space<vmem>>, vector<16xf32>,
        %add3A_434 = arith.addf %scan3A_408, %get3A_433 : vector<16xf32>
        %get3A_435 = arith.index_cast %scan3A_402 : i32 to index
        %get3A_436 = arith.constant 96 : index
        %get3A_437 = tpu.vector_load %arg9[%get3A_435, %get3A_436] {strides = array<i32>} : memref<128x128xf32, #tpu.memory_space<vmem>>, vector<16xf32>,
        %add3A_438 = arith.addf %scan3A_409, %get3A_437 : vector<16xf32>
        %get3A_439 = arith.index_cast %scan3A_402 : i32 to index
        %get3A_440 = arith.constant 112 : index
        %get3A_441 = tpu.vector_load %arg9[%get3A_439, %get3A_440] {strides = array<i32>} : memref<128x128xf32, #tpu.memory_space<vmem>>, vector<16xf32>,
        %add3A_442 = arith.addf %scan3A_410, %get3A_441 : vector<16xf32>
        scf.yield %add3A_414, %add3A_418, %add3A_422, %add3A_426, %add3A_430, %add3A_434, %add3A_438, %add3A_442 : vector<16xf32>, vector<16xf32>, vector<16xf32>, vector<16xf32>, vector<16xf32>, vector<16xf32>, vector<16xf32>, vector<16xf32>
      }
      %scan3A_401 = arith.constant 128 : i32
      scf.yield %scan3A_400#0, %scan3A_400#1, %scan3A_400#2, %scan3A_400#3, %scan3A_400#4, %scan3A_400#5, %scan3A_400#6, %scan3A_400#7 : vector<16xf32>, vector<16xf32>, vector<16xf32>, vector<16xf32>, vector<16xf32>, vector<16xf32>, vector<16xf32>, vector<16xf32>
    }
    %while3A_96 = arith.constant 1 : i32
    %while3A_97:8 = scf.for %while3A_379 = %while3A_93 to %while3A_89 step %while3A_96 iter_args(%while3A_380 = %while3A_95#0, %while3A_381 = %while3A_95#1, %while3A_382 = %while3A_95#2, %while3A_383 = %while3A_95#3, %while3A_384 = %while3A_95#4, %while3A_385 = %while3A_95#5, %while3A_386 = %while3A_95#6, %while3A_387 = %while3A_95#7) -> (vector<16xf32>, vector<16xf32>, vector<16xf32>, vector<16xf32>, vector<16xf32>, vector<16xf32>, vector<16xf32>, vector<16xf32>)  : i32 {
      %mul3A_388 = arith.constant 128 : i32
      %mul3A_389 = arith.muli %while3A_379, %mul3A_388 : i32
      %dma_start3A = tpu.memref_slice %arg8[%mul3A_389] : memref<4224xi32, #tpu.memory_space<vmem>> -> memref<128xi32, #tpu.memory_space<vmem>>
      %dma_start3A_390 = arith.constant 0 : i32
      %dma_start3A_391 = arith.constant 0 : i32
      %dma_start3A_392 = tpu.memref_slice %arg5[%dma_start3A_390, %dma_start3A_391] : memref<524288x128xf32, #tpu.memory_space<hbm>> -> memref<524288x128xf32, #tpu.memory_space<hbm>>
      tpu.enqueue_indirect_dma source(%dma_start3A_392 : memref<524288x128xf32, #tpu.memory_space<hbm>>) target(%arg9 : memref<128x128xf32, #tpu.memory_space<vmem>>) offsets(%dma_start3A : memref<128xi32, #tpu.memory_space<vmem>>) semaphore(%arg13 : memref<!tpu.dma_semaphore, #tpu.memory_space<semaphore_mem>>)
      %dma_wait3A = tpu.memref_slice %arg8[%mul3A_389] : memref<4224xi32, #tpu.memory_space<vmem>> -> memref<128xi32, #tpu.memory_space<vmem>>
      %dma_wait3A_393 = arith.constant 0 : i32
      %dma_wait3A_394 = arith.constant 0 : i32
      %dma_wait3A_395 = tpu.memref_slice %arg5[%dma_wait3A_393, %dma_wait3A_394] : memref<524288x128xf32, #tpu.memory_space<hbm>> -> memref<524288x128xf32, #tpu.memory_space<hbm>>
      tpu.wait_indirect_dma semaphore(%arg13 : memref<!tpu.dma_semaphore, #tpu.memory_space<semaphore_mem>>) src(%dma_wait3A_395 : memref<524288x128xf32, #tpu.memory_space<hbm>>) dst(%arg9 : memref<128x128xf32, #tpu.memory_space<vmem>>)
      %scan3A_396 = arith.constant 0 : i32
      %scan3A_397 = arith.constant 128 : i32
      %scan3A_398 = arith.addi %scan3A_396, %scan3A_397 : i32
      %scan3A_399 = arith.constant 1 : i32
      %scan3A_400:8 = scf.for %scan3A_402 = %scan3A_396 to %scan3A_398 step %scan3A_399 iter_args(%scan3A_403 = %while3A_380, %scan3A_404 = %while3A_381, %scan3A_405 = %while3A_382, %scan3A_406 = %while3A_383, %scan3A_407 = %while3A_384, %scan3A_408 = %while3A_385, %scan3A_409 = %while3A_386, %scan3A_410 = %while3A_387) -> (vector<16xf32>, vector<16xf32>, vector<16xf32>, vector<16xf32>, vector<16xf32>, vector<16xf32>, vector<16xf32>, vector<16xf32>)  : i32 {
        %get3A_411 = arith.index_cast %scan3A_402 : i32 to index
        %get3A_412 = arith.constant 0 : index
        %get3A_413 = tpu.vector_load %arg9[%get3A_411, %get3A_412] {strides = array<i32>} : memref<128x128xf32, #tpu.memory_space<vmem>>, vector<16xf32>,
        %add3A_414 = arith.addf %scan3A_403, %get3A_413 : vector<16xf32>
        %get3A_415 = arith.index_cast %scan3A_402 : i32 to index
        %get3A_416 = arith.constant 16 : index
        %get3A_417 = tpu.vector_load %arg9[%get3A_415, %get3A_416] {strides = array<i32>} : memref<128x128xf32, #tpu.memory_space<vmem>>, vector<16xf32>,
        %add3A_418 = arith.addf %scan3A_404, %get3A_417 : vector<16xf32>
        %get3A_419 = arith.index_cast %scan3A_402 : i32 to index
        %get3A_420 = arith.constant 32 : index
        %get3A_421 = tpu.vector_load %arg9[%get3A_419, %get3A_420] {strides = array<i32>} : memref<128x128xf32, #tpu.memory_space<vmem>>, vector<16xf32>,
        %add3A_422 = arith.addf %scan3A_405, %get3A_421 : vector<16xf32>
        %get3A_423 = arith.index_cast %scan3A_402 : i32 to index
        %get3A_424 = arith.constant 48 : index
        %get3A_425 = tpu.vector_load %arg9[%get3A_423, %get3A_424] {strides = array<i32>} : memref<128x128xf32, #tpu.memory_space<vmem>>, vector<16xf32>,
        %add3A_426 = arith.addf %scan3A_406, %get3A_425 : vector<16xf32>
        %get3A_427 = arith.index_cast %scan3A_402 : i32 to index
        %get3A_428 = arith.constant 64 : index
        %get3A_429 = tpu.vector_load %arg9[%get3A_427, %get3A_428] {strides = array<i32>} : memref<128x128xf32, #tpu.memory_space<vmem>>, vector<16xf32>,
        %add3A_430 = arith.addf %scan3A_407, %get3A_429 : vector<16xf32>
        %get3A_431 = arith.index_cast %scan3A_402 : i32 to index
        %get3A_432 = arith.constant 80 : index
        %get3A_433 = tpu.vector_load %arg9[%get3A_431, %get3A_432] {strides = array<i32>} : memref<128x128xf32, #tpu.memory_space<vmem>>, vector<16xf32>,
        %add3A_434 = arith.addf %scan3A_408, %get3A_433 : vector<16xf32>
        %get3A_435 = arith.index_cast %scan3A_402 : i32 to index
        %get3A_436 = arith.constant 96 : index
        %get3A_437 = tpu.vector_load %arg9[%get3A_435, %get3A_436] {strides = array<i32>} : memref<128x128xf32, #tpu.memory_space<vmem>>, vector<16xf32>,
        %add3A_438 = arith.addf %scan3A_409, %get3A_437 : vector<16xf32>
        %get3A_439 = arith.index_cast %scan3A_402 : i32 to index
        %get3A_440 = arith.constant 112 : index
        %get3A_441 = tpu.vector_load %arg9[%get3A_439, %get3A_440] {strides = array<i32>} : memref<128x128xf32, #tpu.memory_space<vmem>>, vector<16xf32>,
        %add3A_442 = arith.addf %scan3A_410, %get3A_441 : vector<16xf32>
        scf.yield %add3A_414, %add3A_418, %add3A_422, %add3A_426, %add3A_430, %add3A_434, %add3A_438, %add3A_442 : vector<16xf32>, vector<16xf32>, vector<16xf32>, vector<16xf32>, vector<16xf32>, vector<16xf32>, vector<16xf32>, vector<16xf32>
      }
      %scan3A_401 = arith.constant 128 : i32
      scf.yield %scan3A_400#0, %scan3A_400#1, %scan3A_400#2, %scan3A_400#3, %scan3A_400#4, %scan3A_400#5, %scan3A_400#6, %scan3A_400#7 : vector<16xf32>, vector<16xf32>, vector<16xf32>, vector<16xf32>, vector<16xf32>, vector<16xf32>, vector<16xf32>, vector<16xf32>
    }
    %mul3A_98 = arith.constant 128 : i32
    %mul3A_99 = arith.muli %select_n3A, %mul3A_98 : i32
    %sub3A_100 = arith.subi %mul3A_99, %scan3A_16#0 : i32
    %convert_element_type3A = arith.sitofp %sub3A_100 : i32 to f32
    %get3A_101 = arith.constant 0 : index
    %get3A_102 = tpu.vector_load %arg11[%get3A_101] {strides = array<i32>} : memref<16xf32, #tpu.memory_space<vmem>>, vector<16xf32>,
    %get3A_103 = arith.constant 127 : i32
    %get3A_104 = arith.index_cast %get3A_103 : i32 to index
    %get3A_105 = arith.constant 0 : index
    %get3A_106 = tpu.vector_load %arg9[%get3A_104, %get3A_105] {strides = array<i32>} : memref<128x128xf32, #tpu.memory_space<vmem>>, vector<16xf32>,
    %mul3A_107 = vector.broadcast %convert_element_type3A : f32 to vector<16xf32>
    %mul3A_108 = arith.mulf %get3A_106, %mul3A_107 : vector<16xf32>
    %sub3A_109 = arith.subf %while3A_97#0, %mul3A_108 : vector<16xf32>
    %div3A_110 = arith.divf %sub3A_109, %get3A_102 : vector<16xf32>
    %swap3A_111 = arith.constant 0 : index
    %swap3A_112 = tpu.vector_load %arg12[%swap3A_111] {strides = array<i32>} : memref<128xf32, #tpu.memory_space<vmem>>, vector<16xf32>,
    tpu.vector_store %arg12[%swap3A_111], %div3A_110 {strides = array<i32>} : memref<128xf32, #tpu.memory_space<vmem>>, vector<16xf32>,
    %get3A_113 = arith.constant 127 : i32
    %get3A_114 = arith.index_cast %get3A_113 : i32 to index
    %get3A_115 = arith.constant 16 : index
    %get3A_116 = tpu.vector_load %arg9[%get3A_114, %get3A_115] {strides = array<i32>} : memref<128x128xf32, #tpu.memory_space<vmem>>, vector<16xf32>,
    %mul3A_117 = vector.broadcast %convert_element_type3A : f32 to vector<16xf32>
    %mul3A_118 = arith.mulf %get3A_116, %mul3A_117 : vector<16xf32>
    %sub3A_119 = arith.subf %while3A_97#1, %mul3A_118 : vector<16xf32>
    %div3A_120 = arith.divf %sub3A_119, %get3A_102 : vector<16xf32>
    %swap3A_121 = arith.constant 16 : index
    %swap3A_122 = tpu.vector_load %arg12[%swap3A_121] {strides = array<i32>} : memref<128xf32, #tpu.memory_space<vmem>>, vector<16xf32>,
    tpu.vector_store %arg12[%swap3A_121], %div3A_120 {strides = array<i32>} : memref<128xf32, #tpu.memory_space<vmem>>, vector<16xf32>,
    %get3A_123 = arith.constant 127 : i32
    %get3A_124 = arith.index_cast %get3A_123 : i32 to index
    %get3A_125 = arith.constant 32 : index
    %get3A_126 = tpu.vector_load %arg9[%get3A_124, %get3A_125] {strides = array<i32>} : memref<128x128xf32, #tpu.memory_space<vmem>>, vector<16xf32>,
    %mul3A_127 = vector.broadcast %convert_element_type3A : f32 to vector<16xf32>
    %mul3A_128 = arith.mulf %get3A_126, %mul3A_127 : vector<16xf32>
    %sub3A_129 = arith.subf %while3A_97#2, %mul3A_128 : vector<16xf32>
    %div3A_130 = arith.divf %sub3A_129, %get3A_102 : vector<16xf32>
    %swap3A_131 = arith.constant 32 : index
    %swap3A_132 = tpu.vector_load %arg12[%swap3A_131] {strides = array<i32>} : memref<128xf32, #tpu.memory_space<vmem>>, vector<16xf32>,
    tpu.vector_store %arg12[%swap3A_131], %div3A_130 {strides = array<i32>} : memref<128xf32, #tpu.memory_space<vmem>>, vector<16xf32>,
    %get3A_133 = arith.constant 127 : i32
    %get3A_134 = arith.index_cast %get3A_133 : i32 to index
    %get3A_135 = arith.constant 48 : index
    %get3A_136 = tpu.vector_load %arg9[%get3A_134, %get3A_135] {strides = array<i32>} : memref<128x128xf32, #tpu.memory_space<vmem>>, vector<16xf32>,
    %mul3A_137 = vector.broadcast %convert_element_type3A : f32 to vector<16xf32>
    %mul3A_138 = arith.mulf %get3A_136, %mul3A_137 : vector<16xf32>
    %sub3A_139 = arith.subf %while3A_97#3, %mul3A_138 : vector<16xf32>
    %div3A_140 = arith.divf %sub3A_139, %get3A_102 : vector<16xf32>
    %swap3A_141 = arith.constant 48 : index
    %swap3A_142 = tpu.vector_load %arg12[%swap3A_141] {strides = array<i32>} : memref<128xf32, #tpu.memory_space<vmem>>, vector<16xf32>,
    tpu.vector_store %arg12[%swap3A_141], %div3A_140 {strides = array<i32>} : memref<128xf32, #tpu.memory_space<vmem>>, vector<16xf32>,
    %get3A_143 = arith.constant 127 : i32
    %get3A_144 = arith.index_cast %get3A_143 : i32 to index
    %get3A_145 = arith.constant 64 : index
    %get3A_146 = tpu.vector_load %arg9[%get3A_144, %get3A_145] {strides = array<i32>} : memref<128x128xf32, #tpu.memory_space<vmem>>, vector<16xf32>,
    %mul3A_147 = vector.broadcast %convert_element_type3A : f32 to vector<16xf32>
    %mul3A_148 = arith.mulf %get3A_146, %mul3A_147 : vector<16xf32>
    %sub3A_149 = arith.subf %while3A_97#4, %mul3A_148 : vector<16xf32>
    %div3A_150 = arith.divf %sub3A_149, %get3A_102 : vector<16xf32>
    %swap3A_151 = arith.constant 64 : index
    %swap3A_152 = tpu.vector_load %arg12[%swap3A_151] {strides = array<i32>} : memref<128xf32, #tpu.memory_space<vmem>>, vector<16xf32>,
    tpu.vector_store %arg12[%swap3A_151], %div3A_150 {strides = array<i32>} : memref<128xf32, #tpu.memory_space<vmem>>, vector<16xf32>,
    %get3A_153 = arith.constant 127 : i32
    %get3A_154 = arith.index_cast %get3A_153 : i32 to index
    %get3A_155 = arith.constant 80 : index
    %get3A_156 = tpu.vector_load %arg9[%get3A_154, %get3A_155] {strides = array<i32>} : memref<128x128xf32, #tpu.memory_space<vmem>>, vector<16xf32>,
    %mul3A_157 = vector.broadcast %convert_element_type3A : f32 to vector<16xf32>
    %mul3A_158 = arith.mulf %get3A_156, %mul3A_157 : vector<16xf32>
    %sub3A_159 = arith.subf %while3A_97#5, %mul3A_158 : vector<16xf32>
    %div3A_160 = arith.divf %sub3A_159, %get3A_102 : vector<16xf32>
    %swap3A_161 = arith.constant 80 : index
    %swap3A_162 = tpu.vector_load %arg12[%swap3A_161] {strides = array<i32>} : memref<128xf32, #tpu.memory_space<vmem>>, vector<16xf32>,
    tpu.vector_store %arg12[%swap3A_161], %div3A_160 {strides = array<i32>} : memref<128xf32, #tpu.memory_space<vmem>>, vector<16xf32>,
    %get3A_163 = arith.constant 127 : i32
    %get3A_164 = arith.index_cast %get3A_163 : i32 to index
    %get3A_165 = arith.constant 96 : index
    %get3A_166 = tpu.vector_load %arg9[%get3A_164, %get3A_165] {strides = array<i32>} : memref<128x128xf32, #tpu.memory_space<vmem>>, vector<16xf32>,
    %mul3A_167 = vector.broadcast %convert_element_type3A : f32 to vector<16xf32>
    %mul3A_168 = arith.mulf %get3A_166, %mul3A_167 : vector<16xf32>
    %sub3A_169 = arith.subf %while3A_97#6, %mul3A_168 : vector<16xf32>
    %div3A_170 = arith.divf %sub3A_169, %get3A_102 : vector<16xf32>
    %swap3A_171 = arith.constant 96 : index
    %swap3A_172 = tpu.vector_load %arg12[%swap3A_171] {strides = array<i32>} : memref<128xf32, #tpu.memory_space<vmem>>, vector<16xf32>,
    tpu.vector_store %arg12[%swap3A_171], %div3A_170 {strides = array<i32>} : memref<128xf32, #tpu.memory_space<vmem>>, vector<16xf32>,
    %get3A_173 = arith.constant 127 : i32
    %get3A_174 = arith.index_cast %get3A_173 : i32 to index
    %get3A_175 = arith.constant 112 : index
    %get3A_176 = tpu.vector_load %arg9[%get3A_174, %get3A_175] {strides = array<i32>} : memref<128x128xf32, #tpu.memory_space<vmem>>, vector<16xf32>,
    %mul3A_177 = vector.broadcast %convert_element_type3A : f32 to vector<16xf32>
    %mul3A_178 = arith.mulf %get3A_176, %mul3A_177 : vector<16xf32>
    %sub3A_179 = arith.subf %while3A_97#7, %mul3A_178 : vector<16xf32>
    %div3A_180 = arith.divf %sub3A_179, %get3A_102 : vector<16xf32>
    %swap3A_181 = arith.constant 112 : index
    %swap3A_182 = tpu.vector_load %arg12[%swap3A_181] {strides = array<i32>} : memref<128xf32, #tpu.memory_space<vmem>>, vector<16xf32>,
    tpu.vector_store %arg12[%swap3A_181], %div3A_180 {strides = array<i32>} : memref<128xf32, #tpu.memory_space<vmem>>, vector<16xf32>,
    "tpu.region"() ({
      %run_scoped3A = tpu.sem_alloc : memref<!tpu.dma_semaphore, #tpu.memory_space<semaphore_mem>>
      %dma_start3A = arith.constant 0 : i32
      %dma_start3A_379 = tpu.memref_slice %arg6[%add3A_2, %dma_start3A] : memref<64x128xf32, #tpu.memory_space<hbm>> -> memref<1x128xf32, #tpu.memory_space<hbm>>
      %dma_start3A_380 = tpu.memref_squeeze %dma_start3A_379 : memref<1x128xf32, #tpu.memory_space<hbm>> -> memref<128xf32, #tpu.memory_space<hbm>>
      %dma_start3A_381 = arith.constant 0 : i32
      %dma_start3A_382 = tpu.memref_slice %arg6[%add3A_2, %dma_start3A_381] : memref<64x128xf32, #tpu.memory_space<hbm>> -> memref<1x128xf32, #tpu.memory_space<hbm>>
      %dma_start3A_383 = tpu.memref_squeeze %dma_start3A_382 : memref<1x128xf32, #tpu.memory_space<hbm>> -> memref<128xf32, #tpu.memory_space<hbm>>
      tpu.enqueue_dma source(%arg12 : memref<128xf32, #tpu.memory_space<vmem>>) target(%dma_start3A_383 : memref<128xf32, #tpu.memory_space<hbm>>) target_semaphore(%run_scoped3A : memref<!tpu.dma_semaphore, #tpu.memory_space<semaphore_mem>>)
      %dma_wait3A = arith.constant 0 : i32
      %dma_wait3A_384 = tpu.memref_slice %arg6[%add3A_2, %dma_wait3A] : memref<64x128xf32, #tpu.memory_space<hbm>> -> memref<1x128xf32, #tpu.memory_space<hbm>>
      %dma_wait3A_385 = tpu.memref_squeeze %dma_wait3A_384 : memref<1x128xf32, #tpu.memory_space<hbm>> -> memref<128xf32, #tpu.memory_space<hbm>>
      %dma_wait3A_386 = arith.constant 0 : i32
      %dma_wait3A_387 = tpu.memref_slice %arg6[%add3A_2, %dma_wait3A_386] : memref<64x128xf32, #tpu.memory_space<hbm>> -> memref<1x128xf32, #tpu.memory_space<hbm>>
      %dma_wait3A_388 = tpu.memref_squeeze %dma_wait3A_387 : memref<1x128xf32, #tpu.memory_space<hbm>> -> memref<128xf32, #tpu.memory_space<hbm>>
      tpu.wait_dma2 semaphore(%run_scoped3A : memref<!tpu.dma_semaphore, #tpu.memory_space<semaphore_mem>>) src(%arg12 : memref<128xf32, #tpu.memory_space<vmem>>) dst(%dma_wait3A_388 : memref<128xf32, #tpu.memory_space<hbm>>)
      tpu.yield
    }) : () -> ()
    %add3A_183 = arith.constant 32 : i32
    %add3A_184 = arith.addi %add3A, %add3A_183 : i32
    "tpu.region"() ({
      %run_scoped3A = tpu.sem_alloc : memref<!tpu.dma_semaphore, #tpu.memory_space<semaphore_mem>>
      %dma_start3A = arith.constant 0 : i32
      %dma_start3A_379 = tpu.memref_slice %arg2[%add3A_184, %dma_start3A] : memref<64x8192xi32, #tpu.memory_space<hbm>> -> memref<1x8192xi32, #tpu.memory_space<hbm>>
      %dma_start3A_380 = tpu.memref_squeeze %dma_start3A_379 : memref<1x8192xi32, #tpu.memory_space<hbm>> -> memref<8192xi32, #tpu.memory_space<hbm>>
      %dma_start3A_381 = arith.constant 0 : i32
      %dma_start3A_382 = tpu.memref_slice %arg2[%add3A_184, %dma_start3A_381] : memref<64x8192xi32, #tpu.memory_space<hbm>> -> memref<1x8192xi32, #tpu.memory_space<hbm>>
      %dma_start3A_383 = tpu.memref_squeeze %dma_start3A_382 : memref<1x8192xi32, #tpu.memory_space<hbm>> -> memref<8192xi32, #tpu.memory_space<hbm>>
      tpu.enqueue_dma source(%dma_start3A_383 : memref<8192xi32, #tpu.memory_space<hbm>>) target(%arg7 : memref<8192xi32, #tpu.memory_space<vmem>>) target_semaphore(%run_scoped3A : memref<!tpu.dma_semaphore, #tpu.memory_space<semaphore_mem>>)
      %dma_wait3A = arith.constant 0 : i32
      %dma_wait3A_384 = tpu.memref_slice %arg2[%add3A_184, %dma_wait3A] : memref<64x8192xi32, #tpu.memory_space<hbm>> -> memref<1x8192xi32, #tpu.memory_space<hbm>>
      %dma_wait3A_385 = tpu.memref_squeeze %dma_wait3A_384 : memref<1x8192xi32, #tpu.memory_space<hbm>> -> memref<8192xi32, #tpu.memory_space<hbm>>
      %dma_wait3A_386 = arith.constant 0 : i32
      %dma_wait3A_387 = tpu.memref_slice %arg2[%add3A_184, %dma_wait3A_386] : memref<64x8192xi32, #tpu.memory_space<hbm>> -> memref<1x8192xi32, #tpu.memory_space<hbm>>
      %dma_wait3A_388 = tpu.memref_squeeze %dma_wait3A_387 : memref<1x8192xi32, #tpu.memory_space<hbm>> -> memref<8192xi32, #tpu.memory_space<hbm>>
      tpu.wait_dma2 semaphore(%run_scoped3A : memref<!tpu.dma_semaphore, #tpu.memory_space<semaphore_mem>>) src(%dma_wait3A_388 : memref<8192xi32, #tpu.memory_space<hbm>>) dst(%arg7 : memref<8192xi32, #tpu.memory_space<vmem>>)
      tpu.yield
    }) : () -> ()
    "tpu.region"() ({
      %run_scoped3A = tpu.sem_alloc : memref<!tpu.dma_semaphore, #tpu.memory_space<semaphore_mem>>
      %dma_start3A = arith.constant 0 : i32
      %dma_start3A_379 = tpu.memref_slice %arg3[%add3A_184, %dma_start3A] : memref<64x48xi32, #tpu.memory_space<hbm>> -> memref<1x48xi32, #tpu.memory_space<hbm>>
      %dma_start3A_380 = tpu.memref_squeeze %dma_start3A_379 : memref<1x48xi32, #tpu.memory_space<hbm>> -> memref<48xi32, #tpu.memory_space<hbm>>
      %dma_start3A_381 = arith.constant 0 : i32
      %dma_start3A_382 = tpu.memref_slice %arg3[%add3A_184, %dma_start3A_381] : memref<64x48xi32, #tpu.memory_space<hbm>> -> memref<1x48xi32, #tpu.memory_space<hbm>>
      %dma_start3A_383 = tpu.memref_squeeze %dma_start3A_382 : memref<1x48xi32, #tpu.memory_space<hbm>> -> memref<48xi32, #tpu.memory_space<hbm>>
      tpu.enqueue_dma source(%dma_start3A_383 : memref<48xi32, #tpu.memory_space<hbm>>) target(%arg10 : memref<48xi32, #tpu.memory_space<vmem>>) target_semaphore(%run_scoped3A : memref<!tpu.dma_semaphore, #tpu.memory_space<semaphore_mem>>)
      %dma_wait3A = arith.constant 0 : i32
      %dma_wait3A_384 = tpu.memref_slice %arg3[%add3A_184, %dma_wait3A] : memref<64x48xi32, #tpu.memory_space<hbm>> -> memref<1x48xi32, #tpu.memory_space<hbm>>
      %dma_wait3A_385 = tpu.memref_squeeze %dma_wait3A_384 : memref<1x48xi32, #tpu.memory_space<hbm>> -> memref<48xi32, #tpu.memory_space<hbm>>
      %dma_wait3A_386 = arith.constant 0 : i32
      %dma_wait3A_387 = tpu.memref_slice %arg3[%add3A_184, %dma_wait3A_386] : memref<64x48xi32, #tpu.memory_space<hbm>> -> memref<1x48xi32, #tpu.memory_space<hbm>>
      %dma_wait3A_388 = tpu.memref_squeeze %dma_wait3A_387 : memref<1x48xi32, #tpu.memory_space<hbm>> -> memref<48xi32, #tpu.memory_space<hbm>>
      tpu.wait_dma2 semaphore(%run_scoped3A : memref<!tpu.dma_semaphore, #tpu.memory_space<semaphore_mem>>) src(%dma_wait3A_388 : memref<48xi32, #tpu.memory_space<hbm>>) dst(%arg10 : memref<48xi32, #tpu.memory_space<vmem>>)
      tpu.yield
    }) : () -> ()
    "tpu.region"() ({
      %run_scoped3A = tpu.sem_alloc : memref<!tpu.dma_semaphore, #tpu.memory_space<semaphore_mem>>
      %dma_start3A = arith.constant 0 : i32
      %dma_start3A_379 = tpu.memref_slice %arg4[%add3A_184, %dma_start3A] : memref<64x16xf32, #tpu.memory_space<hbm>> -> memref<1x16xf32, #tpu.memory_space<hbm>>
      %dma_start3A_380 = tpu.memref_squeeze %dma_start3A_379 : memref<1x16xf32, #tpu.memory_space<hbm>> -> memref<16xf32, #tpu.memory_space<hbm>>
      %dma_start3A_381 = arith.constant 0 : i32
      %dma_start3A_382 = tpu.memref_slice %arg4[%add3A_184, %dma_start3A_381] : memref<64x16xf32, #tpu.memory_space<hbm>> -> memref<1x16xf32, #tpu.memory_space<hbm>>
      %dma_start3A_383 = tpu.memref_squeeze %dma_start3A_382 : memref<1x16xf32, #tpu.memory_space<hbm>> -> memref<16xf32, #tpu.memory_space<hbm>>
      tpu.enqueue_dma source(%dma_start3A_383 : memref<16xf32, #tpu.memory_space<hbm>>) target(%arg11 : memref<16xf32, #tpu.memory_space<vmem>>) target_semaphore(%run_scoped3A : memref<!tpu.dma_semaphore, #tpu.memory_space<semaphore_mem>>)
      %dma_wait3A = arith.constant 0 : i32
      %dma_wait3A_384 = tpu.memref_slice %arg4[%add3A_184, %dma_wait3A] : memref<64x16xf32, #tpu.memory_space<hbm>> -> memref<1x16xf32, #tpu.memory_space<hbm>>
      %dma_wait3A_385 = tpu.memref_squeeze %dma_wait3A_384 : memref<1x16xf32, #tpu.memory_space<hbm>> -> memref<16xf32, #tpu.memory_space<hbm>>
      %dma_wait3A_386 = arith.constant 0 : i32
      %dma_wait3A_387 = tpu.memref_slice %arg4[%add3A_184, %dma_wait3A_386] : memref<64x16xf32, #tpu.memory_space<hbm>> -> memref<1x16xf32, #tpu.memory_space<hbm>>
      %dma_wait3A_388 = tpu.memref_squeeze %dma_wait3A_387 : memref<1x16xf32, #tpu.memory_space<hbm>> -> memref<16xf32, #tpu.memory_space<hbm>>
      tpu.wait_dma2 semaphore(%run_scoped3A : memref<!tpu.dma_semaphore, #tpu.memory_space<semaphore_mem>>) src(%dma_wait3A_388 : memref<16xf32, #tpu.memory_space<hbm>>) dst(%arg11 : memref<16xf32, #tpu.memory_space<vmem>>)
      tpu.yield
    }) : () -> ()
    %get3A_185 = arith.constant 0 : index
    %get3A_186 = tpu.vector_load %arg10[%get3A_185] {strides = array<i32>} : memref<48xi32, #tpu.memory_space<vmem>>, vector<16xi32>,
    %get3A_187 = arith.constant 16 : index
    %get3A_188 = tpu.vector_load %arg10[%get3A_187] {strides = array<i32>} : memref<48xi32, #tpu.memory_space<vmem>>, vector<16xi32>,
    %get3A_189 = arith.constant 32 : index
    %get3A_190 = tpu.vector_load %arg10[%get3A_189] {strides = array<i32>} : memref<48xi32, #tpu.memory_space<vmem>>, vector<16xi32>,
    %mul3A_191 = arith.constant 8192 : i32
    %mul3A_192 = arith.muli %add3A_184, %mul3A_191 : i32
    %scan3A_193 = arith.constant 0 : i32
    %scan3A_194 = arith.constant 0 : i32
    %scan3A_195 = arith.constant -1 : i32
    %scan3A_196 = arith.constant 0 : i32
    %scan3A_197 = arith.constant 512 : i32
    %scan3A_198 = arith.addi %scan3A_196, %scan3A_197 : i32
    %scan3A_199 = arith.constant 1 : i32
    %scan3A_200:3 = scf.for %scan3A_379 = %scan3A_196 to %scan3A_198 step %scan3A_199 iter_args(%scan3A_380 = %scan3A_193, %scan3A_381 = %scan3A_194, %scan3A_382 = %scan3A_195) -> (i32, i32, i32)  : i32 {
      %mul3A_383 = arith.constant 16 : i32
      %mul3A_384 = arith.muli %scan3A_379, %mul3A_383 : i32
      %get3A_385 = arith.index_cast %mul3A_384 : i32 to index
      %get3A_386 = tpu.vector_load %arg7[%get3A_385] {strides = array<i32>} : memref<8192xi32, #tpu.memory_space<vmem>>, vector<16xi32>,
      %iota3A = tpu.iota {dimensions = array<i32: 0>} : vector<16xi32>
      %mul3A_387 = arith.constant 16 : i32
      %mul3A_388 = arith.muli %scan3A_379, %mul3A_387 : i32
      %add3A_389 = vector.broadcast %mul3A_388 : i32 to vector<16xi32>
      %add3A_390 = arith.addi %iota3A, %add3A_389 : vector<16xi32>
      %lt3A = arith.cmpi slt, %add3A_390, %get3A_190 : vector<16xi32>
      %jit3A_391 = arith.constant -2139095041 : i32
      %broadcast_in_dim3A_392 = vector.broadcast %jit3A_391 : i32 to vector<16xi32>
      %select_n3A_393 = arith.select %lt3A, %get3A_386, %broadcast_in_dim3A_392 : vector<16xi1>, vector<16xi32>
      %gt3A = arith.cmpi sgt, %select_n3A_393, %get3A_186 : vector<16xi32>
      %eq3A = arith.cmpi eq, %select_n3A_393, %get3A_186 : vector<16xi32>
      %convert_element_type3A_394 = arith.extui %eq3A : vector<16xi1> to vector<16xi32>
      %broadcast_in_dim3A_395 = arith.constant true
      %broadcast_in_dim3A_396 = vector.broadcast %broadcast_in_dim3A_395 : i1 to vector<16xi1>
      %masked_cumsum3A = tpu.scan <sum>, %convert_element_type3A_394 masked %broadcast_in_dim3A_396 : vector<16xi32>, vector<16xi1> -> vector<16xi32>
      %sub3A_397 = arith.subi %masked_cumsum3A, %convert_element_type3A_394 : vector<16xi32>
      %add3A_398 = vector.broadcast %scan3A_381 : i32 to vector<16xi32>
      %add3A_399 = arith.addi %sub3A_397, %add3A_398 : vector<16xi32>
      %lt3A_400 = arith.cmpi slt, %add3A_399, %get3A_188 : vector<16xi32>
      %and3A_401 = arith.andi %eq3A, %lt3A_400 : vector<16xi1>
      %or3A = arith.ori %gt3A, %and3A_401 : vector<16xi1>
      %add3A_402 = vector.broadcast %mul3A_192 : i32 to vector<16xi32>
      %add3A_403 = arith.addi %add3A_390, %add3A_402 : vector<16xi32>
      %swap3A_404 = arith.index_cast %scan3A_380 : i32 to index
      %swap3A_405 = tpu.vector_load %arg8[%swap3A_404] masked %or3A {strides = array<i32>} : memref<4224xi32, #tpu.memory_space<vmem>>, vector<16xi32>, vector<16xi1>
      tpu.vector_store %arg8[%swap3A_404], %add3A_403 masked %or3A {strides = array<i32>} : memref<4224xi32, #tpu.memory_space<vmem>>, vector<16xi32>, vector<16xi1>
      %convert_element_type3A_406 = arith.extui %or3A : vector<16xi1> to vector<16xi32>
      %reduce_sum3A = arith.constant true
      %reduce_sum3A_407 = vector.broadcast %reduce_sum3A : i1 to vector<16xi1>
      %reduce_sum3A_408 = tpu.scan <sum>, %convert_element_type3A_406 masked %reduce_sum3A_407 : vector<16xi32>, vector<16xi1> -> vector<16xi32>
      %reduce_sum3A_409 = vector.extract %reduce_sum3A_408[15] : i32 from vector<16xi32>
      %reduce_sum3A_410 = arith.constant true
      %reduce_sum3A_411 = vector.broadcast %reduce_sum3A_410 : i1 to vector<16xi1>
      %reduce_sum3A_412 = tpu.scan <sum>, %convert_element_type3A_394 masked %reduce_sum3A_411 : vector<16xi32>, vector<16xi1> -> vector<16xi32>
      %reduce_sum3A_413 = vector.extract %reduce_sum3A_412[15] : i32 from vector<16xi32>
      %jit3A_414 = arith.constant -1 : i32
      %broadcast_in_dim3A_415 = vector.broadcast %jit3A_414 : i32 to vector<16xi32>
      %select_n3A_416 = arith.select %or3A, %add3A_403, %broadcast_in_dim3A_415 : vector<16xi1>, vector<16xi32>
      %reduce_max3A = arith.constant true
      %reduce_max3A_417 = vector.broadcast %reduce_max3A : i1 to vector<16xi1>
      %reduce_max3A_418 = arith.constant -2147483648 : i32
      %reduce_max3A_419 = vector.broadcast %reduce_max3A_418 : i32 to vector<16xi32>
      %reduce_max3A_420 = arith.xori %select_n3A_416, %reduce_max3A_419 : vector<16xi32>
      %reduce_max3A_421 = tpu.scan <max>, %reduce_max3A_420 masked %reduce_max3A_417 : vector<16xi32>, vector<16xi1> -> vector<16xi32>
      %reduce_max3A_422 = arith.xori %reduce_max3A_421, %reduce_max3A_419 : vector<16xi32>
      %reduce_max3A_423 = vector.extract %reduce_max3A_422[15] : i32 from vector<16xi32>
      %add3A_424 = arith.addi %scan3A_380, %reduce_sum3A_409 : i32
      %add3A_425 = arith.addi %scan3A_381, %reduce_sum3A_413 : i32
      %max3A = arith.maxsi %scan3A_382, %reduce_max3A_423 : i32
      scf.yield %add3A_424, %add3A_425, %max3A : i32, i32, i32
    }
    %scan3A_201 = arith.constant 512 : i32
    %broadcast_in_dim3A_202 = arith.constant 1 : i32
    %broadcast_in_dim3A_203 = vector.broadcast %broadcast_in_dim3A_202 : i32 to vector<16xi32>
    %mul3A_204 = vector.broadcast %scan3A_200#2 : i32 to vector<16xi32>
    %mul3A_205 = arith.muli %broadcast_in_dim3A_203, %mul3A_204 : vector<16xi32>
    %add3A_206 = arith.constant 0 : i32
    %add3A_207 = arith.addi %scan3A_200#0, %add3A_206 : i32
    %swap3A_208 = arith.index_cast %add3A_207 : i32 to index
    %swap3A_209 = tpu.vector_load %arg8[%swap3A_208] {strides = array<i32>} : memref<4224xi32, #tpu.memory_space<vmem>>, vector<16xi32>,
    tpu.vector_store %arg8[%swap3A_208], %mul3A_205 {strides = array<i32>} : memref<4224xi32, #tpu.memory_space<vmem>>, vector<16xi32>,
    %add3A_210 = arith.constant 16 : i32
    %add3A_211 = arith.addi %scan3A_200#0, %add3A_210 : i32
    %swap3A_212 = arith.index_cast %add3A_211 : i32 to index
    %swap3A_213 = tpu.vector_load %arg8[%swap3A_212] {strides = array<i32>} : memref<4224xi32, #tpu.memory_space<vmem>>, vector<16xi32>,
    tpu.vector_store %arg8[%swap3A_212], %mul3A_205 {strides = array<i32>} : memref<4224xi32, #tpu.memory_space<vmem>>, vector<16xi32>,
    %add3A_214 = arith.constant 32 : i32
    %add3A_215 = arith.addi %scan3A_200#0, %add3A_214 : i32
    %swap3A_216 = arith.index_cast %add3A_215 : i32 to index
    %swap3A_217 = tpu.vector_load %arg8[%swap3A_216] {strides = array<i32>} : memref<4224xi32, #tpu.memory_space<vmem>>, vector<16xi32>,
    tpu.vector_store %arg8[%swap3A_216], %mul3A_205 {strides = array<i32>} : memref<4224xi32, #tpu.memory_space<vmem>>, vector<16xi32>,
    %add3A_218 = arith.constant 48 : i32
    %add3A_219 = arith.addi %scan3A_200#0, %add3A_218 : i32
    %swap3A_220 = arith.index_cast %add3A_219 : i32 to index
    %swap3A_221 = tpu.vector_load %arg8[%swap3A_220] {strides = array<i32>} : memref<4224xi32, #tpu.memory_space<vmem>>, vector<16xi32>,
    tpu.vector_store %arg8[%swap3A_220], %mul3A_205 {strides = array<i32>} : memref<4224xi32, #tpu.memory_space<vmem>>, vector<16xi32>,
    %add3A_222 = arith.constant 64 : i32
    %add3A_223 = arith.addi %scan3A_200#0, %add3A_222 : i32
    %swap3A_224 = arith.index_cast %add3A_223 : i32 to index
    %swap3A_225 = tpu.vector_load %arg8[%swap3A_224] {strides = array<i32>} : memref<4224xi32, #tpu.memory_space<vmem>>, vector<16xi32>,
    tpu.vector_store %arg8[%swap3A_224], %mul3A_205 {strides = array<i32>} : memref<4224xi32, #tpu.memory_space<vmem>>, vector<16xi32>,
    %add3A_226 = arith.constant 80 : i32
    %add3A_227 = arith.addi %scan3A_200#0, %add3A_226 : i32
    %swap3A_228 = arith.index_cast %add3A_227 : i32 to index
    %swap3A_229 = tpu.vector_load %arg8[%swap3A_228] {strides = array<i32>} : memref<4224xi32, #tpu.memory_space<vmem>>, vector<16xi32>,
    tpu.vector_store %arg8[%swap3A_228], %mul3A_205 {strides = array<i32>} : memref<4224xi32, #tpu.memory_space<vmem>>, vector<16xi32>,
    %add3A_230 = arith.constant 96 : i32
    %add3A_231 = arith.addi %scan3A_200#0, %add3A_230 : i32
    %swap3A_232 = arith.index_cast %add3A_231 : i32 to index
    %swap3A_233 = tpu.vector_load %arg8[%swap3A_232] {strides = array<i32>} : memref<4224xi32, #tpu.memory_space<vmem>>, vector<16xi32>,
    tpu.vector_store %arg8[%swap3A_232], %mul3A_205 {strides = array<i32>} : memref<4224xi32, #tpu.memory_space<vmem>>, vector<16xi32>,
    %add3A_234 = arith.constant 112 : i32
    %add3A_235 = arith.addi %scan3A_200#0, %add3A_234 : i32
    %swap3A_236 = arith.index_cast %add3A_235 : i32 to index
    %swap3A_237 = tpu.vector_load %arg8[%swap3A_236] {strides = array<i32>} : memref<4224xi32, #tpu.memory_space<vmem>>, vector<16xi32>,
    tpu.vector_store %arg8[%swap3A_236], %mul3A_205 {strides = array<i32>} : memref<4224xi32, #tpu.memory_space<vmem>>, vector<16xi32>,
    %add3A_238 = arith.constant 128 : i32
    %add3A_239 = arith.addi %scan3A_200#0, %add3A_238 : i32
    %sub3A_240 = arith.constant 1 : i32
    %sub3A_241 = arith.subi %add3A_239, %sub3A_240 : i32
    %jit3A_242 = arith.constant 128 : i32
    %div3A_243 = arith.divsi %sub3A_241, %jit3A_242 : i32
    %sign3A_244 = arith.constant 0 : i32
    %sign3A_245 = arith.cmpi sgt, %sub3A_241, %sign3A_244 : i32
    %sign3A_246 = arith.extui %sign3A_245 : i1 to i32
    %sign3A_247 = arith.constant 0 : i32
    %sign3A_248 = arith.cmpi slt, %sub3A_241, %sign3A_247 : i32
    %sign3A_249 = arith.extui %sign3A_248 : i1 to i32
    %sign3A_250 = arith.subi %sign3A_246, %sign3A_249 : i32
    %sign3A_251 = arith.constant 0 : i32
    %sign3A_252 = arith.cmpi sgt, %jit3A_242, %sign3A_251 : i32
    %sign3A_253 = arith.extui %sign3A_252 : i1 to i32
    %sign3A_254 = arith.constant 0 : i32
    %sign3A_255 = arith.cmpi slt, %jit3A_242, %sign3A_254 : i32
    %sign3A_256 = arith.extui %sign3A_255 : i1 to i32
    %sign3A_257 = arith.subi %sign3A_253, %sign3A_256 : i32
    %ne3A_258 = arith.cmpi ne, %sign3A_250, %sign3A_257 : i32
    %rem3A_259 = arith.remsi %sub3A_241, %jit3A_242 : i32
    %ne3A_260 = arith.constant 0 : i32
    %ne3A_261 = arith.cmpi ne, %rem3A_259, %ne3A_260 : i32
    %and3A_262 = arith.andi %ne3A_258, %ne3A_261 : i1
    %sub3A_263 = arith.constant 1 : i32
    %sub3A_264 = arith.subi %div3A_243, %sub3A_263 : i32
    %select_n3A_265 = arith.select %and3A_262, %sub3A_264, %div3A_243 : i32
    %broadcast_in_dim3A_266 = arith.constant 0.000000e+00 : f32
    %broadcast_in_dim3A_267 = vector.broadcast %broadcast_in_dim3A_266 : f32 to vector<16xf32>
    %broadcast_in_dim3A_268 = arith.constant 0.000000e+00 : f32
    %broadcast_in_dim3A_269 = vector.broadcast %broadcast_in_dim3A_268 : f32 to vector<16xf32>
    %broadcast_in_dim3A_270 = arith.constant 0.000000e+00 : f32
    %broadcast_in_dim3A_271 = vector.broadcast %broadcast_in_dim3A_270 : f32 to vector<16xf32>
    %broadcast_in_dim3A_272 = arith.constant 0.000000e+00 : f32
    %broadcast_in_dim3A_273 = vector.broadcast %broadcast_in_dim3A_272 : f32 to vector<16xf32>
    %broadcast_in_dim3A_274 = arith.constant 0.000000e+00 : f32
    %broadcast_in_dim3A_275 = vector.broadcast %broadcast_in_dim3A_274 : f32 to vector<16xf32>
    %broadcast_in_dim3A_276 = arith.constant 0.000000e+00 : f32
    %broadcast_in_dim3A_277 = vector.broadcast %broadcast_in_dim3A_276 : f32 to vector<16xf32>
    %broadcast_in_dim3A_278 = arith.constant 0.000000e+00 : f32
    %broadcast_in_dim3A_279 = vector.broadcast %broadcast_in_dim3A_278 : f32 to vector<16xf32>
    %broadcast_in_dim3A_280 = arith.constant 0.000000e+00 : f32
    %broadcast_in_dim3A_281 = vector.broadcast %broadcast_in_dim3A_280 : f32 to vector<16xf32>
    %while3A_282 = arith.constant 0 : i32
    %while3A_283 = arith.subi %select_n3A_265, %while3A_282 : i32
    %while3A_284 = arith.addi %while3A_282, %while3A_283 : i32
    %while3A_285 = arith.constant 1 : i32
    %while3A_286 = arith.divsi %while3A_283, %while3A_285 : i32
    %while3A_287 = arith.muli %while3A_286, %while3A_285 : i32
    %while3A_288 = arith.addi %while3A_282, %while3A_287 : i32
    %while3A_289 = arith.constant 1 : i32
    %while3A_290:8 = scf.for %while3A_379 = %while3A_282 to %while3A_288 step %while3A_289 iter_args(%while3A_380 = %broadcast_in_dim3A_267, %while3A_381 = %broadcast_in_dim3A_269, %while3A_382 = %broadcast_in_dim3A_271, %while3A_383 = %broadcast_in_dim3A_273, %while3A_384 = %broadcast_in_dim3A_275, %while3A_385 = %broadcast_in_dim3A_277, %while3A_386 = %broadcast_in_dim3A_279, %while3A_387 = %broadcast_in_dim3A_281) -> (vector<16xf32>, vector<16xf32>, vector<16xf32>, vector<16xf32>, vector<16xf32>, vector<16xf32>, vector<16xf32>, vector<16xf32>)  : i32 {
      %mul3A_388 = arith.constant 128 : i32
      %mul3A_389 = arith.muli %while3A_379, %mul3A_388 : i32
      %dma_start3A = tpu.memref_slice %arg8[%mul3A_389] : memref<4224xi32, #tpu.memory_space<vmem>> -> memref<128xi32, #tpu.memory_space<vmem>>
      %dma_start3A_390 = arith.constant 0 : i32
      %dma_start3A_391 = arith.constant 0 : i32
      %dma_start3A_392 = tpu.memref_slice %arg5[%dma_start3A_390, %dma_start3A_391] : memref<524288x128xf32, #tpu.memory_space<hbm>> -> memref<524288x128xf32, #tpu.memory_space<hbm>>
      tpu.enqueue_indirect_dma source(%dma_start3A_392 : memref<524288x128xf32, #tpu.memory_space<hbm>>) target(%arg9 : memref<128x128xf32, #tpu.memory_space<vmem>>) offsets(%dma_start3A : memref<128xi32, #tpu.memory_space<vmem>>) semaphore(%arg13 : memref<!tpu.dma_semaphore, #tpu.memory_space<semaphore_mem>>)
      %dma_wait3A = tpu.memref_slice %arg8[%mul3A_389] : memref<4224xi32, #tpu.memory_space<vmem>> -> memref<128xi32, #tpu.memory_space<vmem>>
      %dma_wait3A_393 = arith.constant 0 : i32
      %dma_wait3A_394 = arith.constant 0 : i32
      %dma_wait3A_395 = tpu.memref_slice %arg5[%dma_wait3A_393, %dma_wait3A_394] : memref<524288x128xf32, #tpu.memory_space<hbm>> -> memref<524288x128xf32, #tpu.memory_space<hbm>>
      tpu.wait_indirect_dma semaphore(%arg13 : memref<!tpu.dma_semaphore, #tpu.memory_space<semaphore_mem>>) src(%dma_wait3A_395 : memref<524288x128xf32, #tpu.memory_space<hbm>>) dst(%arg9 : memref<128x128xf32, #tpu.memory_space<vmem>>)
      %scan3A_396 = arith.constant 0 : i32
      %scan3A_397 = arith.constant 128 : i32
      %scan3A_398 = arith.addi %scan3A_396, %scan3A_397 : i32
      %scan3A_399 = arith.constant 1 : i32
      %scan3A_400:8 = scf.for %scan3A_402 = %scan3A_396 to %scan3A_398 step %scan3A_399 iter_args(%scan3A_403 = %while3A_380, %scan3A_404 = %while3A_381, %scan3A_405 = %while3A_382, %scan3A_406 = %while3A_383, %scan3A_407 = %while3A_384, %scan3A_408 = %while3A_385, %scan3A_409 = %while3A_386, %scan3A_410 = %while3A_387) -> (vector<16xf32>, vector<16xf32>, vector<16xf32>, vector<16xf32>, vector<16xf32>, vector<16xf32>, vector<16xf32>, vector<16xf32>)  : i32 {
        %get3A_411 = arith.index_cast %scan3A_402 : i32 to index
        %get3A_412 = arith.constant 0 : index
        %get3A_413 = tpu.vector_load %arg9[%get3A_411, %get3A_412] {strides = array<i32>} : memref<128x128xf32, #tpu.memory_space<vmem>>, vector<16xf32>,
        %add3A_414 = arith.addf %scan3A_403, %get3A_413 : vector<16xf32>
        %get3A_415 = arith.index_cast %scan3A_402 : i32 to index
        %get3A_416 = arith.constant 16 : index
        %get3A_417 = tpu.vector_load %arg9[%get3A_415, %get3A_416] {strides = array<i32>} : memref<128x128xf32, #tpu.memory_space<vmem>>, vector<16xf32>,
        %add3A_418 = arith.addf %scan3A_404, %get3A_417 : vector<16xf32>
        %get3A_419 = arith.index_cast %scan3A_402 : i32 to index
        %get3A_420 = arith.constant 32 : index
        %get3A_421 = tpu.vector_load %arg9[%get3A_419, %get3A_420] {strides = array<i32>} : memref<128x128xf32, #tpu.memory_space<vmem>>, vector<16xf32>,
        %add3A_422 = arith.addf %scan3A_405, %get3A_421 : vector<16xf32>
        %get3A_423 = arith.index_cast %scan3A_402 : i32 to index
        %get3A_424 = arith.constant 48 : index
        %get3A_425 = tpu.vector_load %arg9[%get3A_423, %get3A_424] {strides = array<i32>} : memref<128x128xf32, #tpu.memory_space<vmem>>, vector<16xf32>,
        %add3A_426 = arith.addf %scan3A_406, %get3A_425 : vector<16xf32>
        %get3A_427 = arith.index_cast %scan3A_402 : i32 to index
        %get3A_428 = arith.constant 64 : index
        %get3A_429 = tpu.vector_load %arg9[%get3A_427, %get3A_428] {strides = array<i32>} : memref<128x128xf32, #tpu.memory_space<vmem>>, vector<16xf32>,
        %add3A_430 = arith.addf %scan3A_407, %get3A_429 : vector<16xf32>
        %get3A_431 = arith.index_cast %scan3A_402 : i32 to index
        %get3A_432 = arith.constant 80 : index
        %get3A_433 = tpu.vector_load %arg9[%get3A_431, %get3A_432] {strides = array<i32>} : memref<128x128xf32, #tpu.memory_space<vmem>>, vector<16xf32>,
        %add3A_434 = arith.addf %scan3A_408, %get3A_433 : vector<16xf32>
        %get3A_435 = arith.index_cast %scan3A_402 : i32 to index
        %get3A_436 = arith.constant 96 : index
        %get3A_437 = tpu.vector_load %arg9[%get3A_435, %get3A_436] {strides = array<i32>} : memref<128x128xf32, #tpu.memory_space<vmem>>, vector<16xf32>,
        %add3A_438 = arith.addf %scan3A_409, %get3A_437 : vector<16xf32>
        %get3A_439 = arith.index_cast %scan3A_402 : i32 to index
        %get3A_440 = arith.constant 112 : index
        %get3A_441 = tpu.vector_load %arg9[%get3A_439, %get3A_440] {strides = array<i32>} : memref<128x128xf32, #tpu.memory_space<vmem>>, vector<16xf32>,
        %add3A_442 = arith.addf %scan3A_410, %get3A_441 : vector<16xf32>
        scf.yield %add3A_414, %add3A_418, %add3A_422, %add3A_426, %add3A_430, %add3A_434, %add3A_438, %add3A_442 : vector<16xf32>, vector<16xf32>, vector<16xf32>, vector<16xf32>, vector<16xf32>, vector<16xf32>, vector<16xf32>, vector<16xf32>
      }
      %scan3A_401 = arith.constant 128 : i32
      scf.yield %scan3A_400#0, %scan3A_400#1, %scan3A_400#2, %scan3A_400#3, %scan3A_400#4, %scan3A_400#5, %scan3A_400#6, %scan3A_400#7 : vector<16xf32>, vector<16xf32>, vector<16xf32>, vector<16xf32>, vector<16xf32>, vector<16xf32>, vector<16xf32>, vector<16xf32>
    }
    %while3A_291 = arith.constant 1 : i32
    %while3A_292:8 = scf.for %while3A_379 = %while3A_288 to %while3A_284 step %while3A_291 iter_args(%while3A_380 = %while3A_290#0, %while3A_381 = %while3A_290#1, %while3A_382 = %while3A_290#2, %while3A_383 = %while3A_290#3, %while3A_384 = %while3A_290#4, %while3A_385 = %while3A_290#5, %while3A_386 = %while3A_290#6, %while3A_387 = %while3A_290#7) -> (vector<16xf32>, vector<16xf32>, vector<16xf32>, vector<16xf32>, vector<16xf32>, vector<16xf32>, vector<16xf32>, vector<16xf32>)  : i32 {
      %mul3A_388 = arith.constant 128 : i32
      %mul3A_389 = arith.muli %while3A_379, %mul3A_388 : i32
      %dma_start3A = tpu.memref_slice %arg8[%mul3A_389] : memref<4224xi32, #tpu.memory_space<vmem>> -> memref<128xi32, #tpu.memory_space<vmem>>
      %dma_start3A_390 = arith.constant 0 : i32
      %dma_start3A_391 = arith.constant 0 : i32
      %dma_start3A_392 = tpu.memref_slice %arg5[%dma_start3A_390, %dma_start3A_391] : memref<524288x128xf32, #tpu.memory_space<hbm>> -> memref<524288x128xf32, #tpu.memory_space<hbm>>
      tpu.enqueue_indirect_dma source(%dma_start3A_392 : memref<524288x128xf32, #tpu.memory_space<hbm>>) target(%arg9 : memref<128x128xf32, #tpu.memory_space<vmem>>) offsets(%dma_start3A : memref<128xi32, #tpu.memory_space<vmem>>) semaphore(%arg13 : memref<!tpu.dma_semaphore, #tpu.memory_space<semaphore_mem>>)
      %dma_wait3A = tpu.memref_slice %arg8[%mul3A_389] : memref<4224xi32, #tpu.memory_space<vmem>> -> memref<128xi32, #tpu.memory_space<vmem>>
      %dma_wait3A_393 = arith.constant 0 : i32
      %dma_wait3A_394 = arith.constant 0 : i32
      %dma_wait3A_395 = tpu.memref_slice %arg5[%dma_wait3A_393, %dma_wait3A_394] : memref<524288x128xf32, #tpu.memory_space<hbm>> -> memref<524288x128xf32, #tpu.memory_space<hbm>>
      tpu.wait_indirect_dma semaphore(%arg13 : memref<!tpu.dma_semaphore, #tpu.memory_space<semaphore_mem>>) src(%dma_wait3A_395 : memref<524288x128xf32, #tpu.memory_space<hbm>>) dst(%arg9 : memref<128x128xf32, #tpu.memory_space<vmem>>)
      %scan3A_396 = arith.constant 0 : i32
      %scan3A_397 = arith.constant 128 : i32
      %scan3A_398 = arith.addi %scan3A_396, %scan3A_397 : i32
      %scan3A_399 = arith.constant 1 : i32
      %scan3A_400:8 = scf.for %scan3A_402 = %scan3A_396 to %scan3A_398 step %scan3A_399 iter_args(%scan3A_403 = %while3A_380, %scan3A_404 = %while3A_381, %scan3A_405 = %while3A_382, %scan3A_406 = %while3A_383, %scan3A_407 = %while3A_384, %scan3A_408 = %while3A_385, %scan3A_409 = %while3A_386, %scan3A_410 = %while3A_387) -> (vector<16xf32>, vector<16xf32>, vector<16xf32>, vector<16xf32>, vector<16xf32>, vector<16xf32>, vector<16xf32>, vector<16xf32>)  : i32 {
        %get3A_411 = arith.index_cast %scan3A_402 : i32 to index
        %get3A_412 = arith.constant 0 : index
        %get3A_413 = tpu.vector_load %arg9[%get3A_411, %get3A_412] {strides = array<i32>} : memref<128x128xf32, #tpu.memory_space<vmem>>, vector<16xf32>,
        %add3A_414 = arith.addf %scan3A_403, %get3A_413 : vector<16xf32>
        %get3A_415 = arith.index_cast %scan3A_402 : i32 to index
        %get3A_416 = arith.constant 16 : index
        %get3A_417 = tpu.vector_load %arg9[%get3A_415, %get3A_416] {strides = array<i32>} : memref<128x128xf32, #tpu.memory_space<vmem>>, vector<16xf32>,
        %add3A_418 = arith.addf %scan3A_404, %get3A_417 : vector<16xf32>
        %get3A_419 = arith.index_cast %scan3A_402 : i32 to index
        %get3A_420 = arith.constant 32 : index
        %get3A_421 = tpu.vector_load %arg9[%get3A_419, %get3A_420] {strides = array<i32>} : memref<128x128xf32, #tpu.memory_space<vmem>>, vector<16xf32>,
        %add3A_422 = arith.addf %scan3A_405, %get3A_421 : vector<16xf32>
        %get3A_423 = arith.index_cast %scan3A_402 : i32 to index
        %get3A_424 = arith.constant 48 : index
        %get3A_425 = tpu.vector_load %arg9[%get3A_423, %get3A_424] {strides = array<i32>} : memref<128x128xf32, #tpu.memory_space<vmem>>, vector<16xf32>,
        %add3A_426 = arith.addf %scan3A_406, %get3A_425 : vector<16xf32>
        %get3A_427 = arith.index_cast %scan3A_402 : i32 to index
        %get3A_428 = arith.constant 64 : index
        %get3A_429 = tpu.vector_load %arg9[%get3A_427, %get3A_428] {strides = array<i32>} : memref<128x128xf32, #tpu.memory_space<vmem>>, vector<16xf32>,
        %add3A_430 = arith.addf %scan3A_407, %get3A_429 : vector<16xf32>
        %get3A_431 = arith.index_cast %scan3A_402 : i32 to index
        %get3A_432 = arith.constant 80 : index
        %get3A_433 = tpu.vector_load %arg9[%get3A_431, %get3A_432] {strides = array<i32>} : memref<128x128xf32, #tpu.memory_space<vmem>>, vector<16xf32>,
        %add3A_434 = arith.addf %scan3A_408, %get3A_433 : vector<16xf32>
        %get3A_435 = arith.index_cast %scan3A_402 : i32 to index
        %get3A_436 = arith.constant 96 : index
        %get3A_437 = tpu.vector_load %arg9[%get3A_435, %get3A_436] {strides = array<i32>} : memref<128x128xf32, #tpu.memory_space<vmem>>, vector<16xf32>,
        %add3A_438 = arith.addf %scan3A_409, %get3A_437 : vector<16xf32>
        %get3A_439 = arith.index_cast %scan3A_402 : i32 to index
        %get3A_440 = arith.constant 112 : index
        %get3A_441 = tpu.vector_load %arg9[%get3A_439, %get3A_440] {strides = array<i32>} : memref<128x128xf32, #tpu.memory_space<vmem>>, vector<16xf32>,
        %add3A_442 = arith.addf %scan3A_410, %get3A_441 : vector<16xf32>
        scf.yield %add3A_414, %add3A_418, %add3A_422, %add3A_426, %add3A_430, %add3A_434, %add3A_438, %add3A_442 : vector<16xf32>, vector<16xf32>, vector<16xf32>, vector<16xf32>, vector<16xf32>, vector<16xf32>, vector<16xf32>, vector<16xf32>
      }
      %scan3A_401 = arith.constant 128 : i32
      scf.yield %scan3A_400#0, %scan3A_400#1, %scan3A_400#2, %scan3A_400#3, %scan3A_400#4, %scan3A_400#5, %scan3A_400#6, %scan3A_400#7 : vector<16xf32>, vector<16xf32>, vector<16xf32>, vector<16xf32>, vector<16xf32>, vector<16xf32>, vector<16xf32>, vector<16xf32>
    }
    %mul3A_293 = arith.constant 128 : i32
    %mul3A_294 = arith.muli %select_n3A_265, %mul3A_293 : i32
    %sub3A_295 = arith.subi %mul3A_294, %scan3A_200#0 : i32
    %convert_element_type3A_296 = arith.sitofp %sub3A_295 : i32 to f32
    %get3A_297 = arith.constant 0 : index
    %get3A_298 = tpu.vector_load %arg11[%get3A_297] {strides = array<i32>} : memref<16xf32, #tpu.memory_space<vmem>>, vector<16xf32>,
    %get3A_299 = arith.constant 127 : i32
    %get3A_300 = arith.index_cast %get3A_299 : i32 to index
    %get3A_301 = arith.constant 0 : index
    %get3A_302 = tpu.vector_load %arg9[%get3A_300, %get3A_301] {strides = array<i32>} : memref<128x128xf32, #tpu.memory_space<vmem>>, vector<16xf32>,
    %mul3A_303 = vector.broadcast %convert_element_type3A_296 : f32 to vector<16xf32>
    %mul3A_304 = arith.mulf %get3A_302, %mul3A_303 : vector<16xf32>
    %sub3A_305 = arith.subf %while3A_292#0, %mul3A_304 : vector<16xf32>
    %div3A_306 = arith.divf %sub3A_305, %get3A_298 : vector<16xf32>
    %swap3A_307 = arith.constant 0 : index
    %swap3A_308 = tpu.vector_load %arg12[%swap3A_307] {strides = array<i32>} : memref<128xf32, #tpu.memory_space<vmem>>, vector<16xf32>,
    tpu.vector_store %arg12[%swap3A_307], %div3A_306 {strides = array<i32>} : memref<128xf32, #tpu.memory_space<vmem>>, vector<16xf32>,
    %get3A_309 = arith.constant 127 : i32
    %get3A_310 = arith.index_cast %get3A_309 : i32 to index
    %get3A_311 = arith.constant 16 : index
    %get3A_312 = tpu.vector_load %arg9[%get3A_310, %get3A_311] {strides = array<i32>} : memref<128x128xf32, #tpu.memory_space<vmem>>, vector<16xf32>,
    %mul3A_313 = vector.broadcast %convert_element_type3A_296 : f32 to vector<16xf32>
    %mul3A_314 = arith.mulf %get3A_312, %mul3A_313 : vector<16xf32>
    %sub3A_315 = arith.subf %while3A_292#1, %mul3A_314 : vector<16xf32>
    %div3A_316 = arith.divf %sub3A_315, %get3A_298 : vector<16xf32>
    %swap3A_317 = arith.constant 16 : index
    %swap3A_318 = tpu.vector_load %arg12[%swap3A_317] {strides = array<i32>} : memref<128xf32, #tpu.memory_space<vmem>>, vector<16xf32>,
    tpu.vector_store %arg12[%swap3A_317], %div3A_316 {strides = array<i32>} : memref<128xf32, #tpu.memory_space<vmem>>, vector<16xf32>,
    %get3A_319 = arith.constant 127 : i32
    %get3A_320 = arith.index_cast %get3A_319 : i32 to index
    %get3A_321 = arith.constant 32 : index
    %get3A_322 = tpu.vector_load %arg9[%get3A_320, %get3A_321] {strides = array<i32>} : memref<128x128xf32, #tpu.memory_space<vmem>>, vector<16xf32>,
    %mul3A_323 = vector.broadcast %convert_element_type3A_296 : f32 to vector<16xf32>
    %mul3A_324 = arith.mulf %get3A_322, %mul3A_323 : vector<16xf32>
    %sub3A_325 = arith.subf %while3A_292#2, %mul3A_324 : vector<16xf32>
    %div3A_326 = arith.divf %sub3A_325, %get3A_298 : vector<16xf32>
    %swap3A_327 = arith.constant 32 : index
    %swap3A_328 = tpu.vector_load %arg12[%swap3A_327] {strides = array<i32>} : memref<128xf32, #tpu.memory_space<vmem>>, vector<16xf32>,
    tpu.vector_store %arg12[%swap3A_327], %div3A_326 {strides = array<i32>} : memref<128xf32, #tpu.memory_space<vmem>>, vector<16xf32>,
    %get3A_329 = arith.constant 127 : i32
    %get3A_330 = arith.index_cast %get3A_329 : i32 to index
    %get3A_331 = arith.constant 48 : index
    %get3A_332 = tpu.vector_load %arg9[%get3A_330, %get3A_331] {strides = array<i32>} : memref<128x128xf32, #tpu.memory_space<vmem>>, vector<16xf32>,
    %mul3A_333 = vector.broadcast %convert_element_type3A_296 : f32 to vector<16xf32>
    %mul3A_334 = arith.mulf %get3A_332, %mul3A_333 : vector<16xf32>
    %sub3A_335 = arith.subf %while3A_292#3, %mul3A_334 : vector<16xf32>
    %div3A_336 = arith.divf %sub3A_335, %get3A_298 : vector<16xf32>
    %swap3A_337 = arith.constant 48 : index
    %swap3A_338 = tpu.vector_load %arg12[%swap3A_337] {strides = array<i32>} : memref<128xf32, #tpu.memory_space<vmem>>, vector<16xf32>,
    tpu.vector_store %arg12[%swap3A_337], %div3A_336 {strides = array<i32>} : memref<128xf32, #tpu.memory_space<vmem>>, vector<16xf32>,
    %get3A_339 = arith.constant 127 : i32
    %get3A_340 = arith.index_cast %get3A_339 : i32 to index
    %get3A_341 = arith.constant 64 : index
    %get3A_342 = tpu.vector_load %arg9[%get3A_340, %get3A_341] {strides = array<i32>} : memref<128x128xf32, #tpu.memory_space<vmem>>, vector<16xf32>,
    %mul3A_343 = vector.broadcast %convert_element_type3A_296 : f32 to vector<16xf32>
    %mul3A_344 = arith.mulf %get3A_342, %mul3A_343 : vector<16xf32>
    %sub3A_345 = arith.subf %while3A_292#4, %mul3A_344 : vector<16xf32>
    %div3A_346 = arith.divf %sub3A_345, %get3A_298 : vector<16xf32>
    %swap3A_347 = arith.constant 64 : index
    %swap3A_348 = tpu.vector_load %arg12[%swap3A_347] {strides = array<i32>} : memref<128xf32, #tpu.memory_space<vmem>>, vector<16xf32>,
    tpu.vector_store %arg12[%swap3A_347], %div3A_346 {strides = array<i32>} : memref<128xf32, #tpu.memory_space<vmem>>, vector<16xf32>,
    %get3A_349 = arith.constant 127 : i32
    %get3A_350 = arith.index_cast %get3A_349 : i32 to index
    %get3A_351 = arith.constant 80 : index
    %get3A_352 = tpu.vector_load %arg9[%get3A_350, %get3A_351] {strides = array<i32>} : memref<128x128xf32, #tpu.memory_space<vmem>>, vector<16xf32>,
    %mul3A_353 = vector.broadcast %convert_element_type3A_296 : f32 to vector<16xf32>
    %mul3A_354 = arith.mulf %get3A_352, %mul3A_353 : vector<16xf32>
    %sub3A_355 = arith.subf %while3A_292#5, %mul3A_354 : vector<16xf32>
    %div3A_356 = arith.divf %sub3A_355, %get3A_298 : vector<16xf32>
    %swap3A_357 = arith.constant 80 : index
    %swap3A_358 = tpu.vector_load %arg12[%swap3A_357] {strides = array<i32>} : memref<128xf32, #tpu.memory_space<vmem>>, vector<16xf32>,
    tpu.vector_store %arg12[%swap3A_357], %div3A_356 {strides = array<i32>} : memref<128xf32, #tpu.memory_space<vmem>>, vector<16xf32>,
    %get3A_359 = arith.constant 127 : i32
    %get3A_360 = arith.index_cast %get3A_359 : i32 to index
    %get3A_361 = arith.constant 96 : index
    %get3A_362 = tpu.vector_load %arg9[%get3A_360, %get3A_361] {strides = array<i32>} : memref<128x128xf32, #tpu.memory_space<vmem>>, vector<16xf32>,
    %mul3A_363 = vector.broadcast %convert_element_type3A_296 : f32 to vector<16xf32>
    %mul3A_364 = arith.mulf %get3A_362, %mul3A_363 : vector<16xf32>
    %sub3A_365 = arith.subf %while3A_292#6, %mul3A_364 : vector<16xf32>
    %div3A_366 = arith.divf %sub3A_365, %get3A_298 : vector<16xf32>
    %swap3A_367 = arith.constant 96 : index
    %swap3A_368 = tpu.vector_load %arg12[%swap3A_367] {strides = array<i32>} : memref<128xf32, #tpu.memory_space<vmem>>, vector<16xf32>,
    tpu.vector_store %arg12[%swap3A_367], %div3A_366 {strides = array<i32>} : memref<128xf32, #tpu.memory_space<vmem>>, vector<16xf32>,
    %get3A_369 = arith.constant 127 : i32
    %get3A_370 = arith.index_cast %get3A_369 : i32 to index
    %get3A_371 = arith.constant 112 : index
    %get3A_372 = tpu.vector_load %arg9[%get3A_370, %get3A_371] {strides = array<i32>} : memref<128x128xf32, #tpu.memory_space<vmem>>, vector<16xf32>,
    %mul3A_373 = vector.broadcast %convert_element_type3A_296 : f32 to vector<16xf32>
    %mul3A_374 = arith.mulf %get3A_372, %mul3A_373 : vector<16xf32>
    %sub3A_375 = arith.subf %while3A_292#7, %mul3A_374 : vector<16xf32>
    %div3A_376 = arith.divf %sub3A_375, %get3A_298 : vector<16xf32>
    %swap3A_377 = arith.constant 112 : index
    %swap3A_378 = tpu.vector_load %arg12[%swap3A_377] {strides = array<i32>} : memref<128xf32, #tpu.memory_space<vmem>>, vector<16xf32>,
    tpu.vector_store %arg12[%swap3A_377], %div3A_376 {strides = array<i32>} : memref<128xf32, #tpu.memory_space<vmem>>, vector<16xf32>,
    "tpu.region"() ({
      %run_scoped3A = tpu.sem_alloc : memref<!tpu.dma_semaphore, #tpu.memory_space<semaphore_mem>>
      %dma_start3A = arith.constant 0 : i32
      %dma_start3A_379 = tpu.memref_slice %arg6[%add3A_184, %dma_start3A] : memref<64x128xf32, #tpu.memory_space<hbm>> -> memref<1x128xf32, #tpu.memory_space<hbm>>
      %dma_start3A_380 = tpu.memref_squeeze %dma_start3A_379 : memref<1x128xf32, #tpu.memory_space<hbm>> -> memref<128xf32, #tpu.memory_space<hbm>>
      %dma_start3A_381 = arith.constant 0 : i32
      %dma_start3A_382 = tpu.memref_slice %arg6[%add3A_184, %dma_start3A_381] : memref<64x128xf32, #tpu.memory_space<hbm>> -> memref<1x128xf32, #tpu.memory_space<hbm>>
      %dma_start3A_383 = tpu.memref_squeeze %dma_start3A_382 : memref<1x128xf32, #tpu.memory_space<hbm>> -> memref<128xf32, #tpu.memory_space<hbm>>
      tpu.enqueue_dma source(%arg12 : memref<128xf32, #tpu.memory_space<vmem>>) target(%dma_start3A_383 : memref<128xf32, #tpu.memory_space<hbm>>) target_semaphore(%run_scoped3A : memref<!tpu.dma_semaphore, #tpu.memory_space<semaphore_mem>>)
      %dma_wait3A = arith.constant 0 : i32
      %dma_wait3A_384 = tpu.memref_slice %arg6[%add3A_184, %dma_wait3A] : memref<64x128xf32, #tpu.memory_space<hbm>> -> memref<1x128xf32, #tpu.memory_space<hbm>>
      %dma_wait3A_385 = tpu.memref_squeeze %dma_wait3A_384 : memref<1x128xf32, #tpu.memory_space<hbm>> -> memref<128xf32, #tpu.memory_space<hbm>>
      %dma_wait3A_386 = arith.constant 0 : i32
      %dma_wait3A_387 = tpu.memref_slice %arg6[%add3A_184, %dma_wait3A_386] : memref<64x128xf32, #tpu.memory_space<hbm>> -> memref<1x128xf32, #tpu.memory_space<hbm>>
      %dma_wait3A_388 = tpu.memref_squeeze %dma_wait3A_387 : memref<1x128xf32, #tpu.memory_space<hbm>> -> memref<128xf32, #tpu.memory_space<hbm>>
      tpu.wait_dma2 semaphore(%run_scoped3A : memref<!tpu.dma_semaphore, #tpu.memory_space<semaphore_mem>>) src(%arg12 : memref<128xf32, #tpu.memory_space<vmem>>) dst(%dma_wait3A_388 : memref<128xf32, #tpu.memory_space<hbm>>)
      tpu.yield
    }) : () -> ()
    return
  }
}

module attributes {stable_mosaic.version = 14 : i64} {
  func.func @_score_kernel(%arg0: i32, %arg1: i32, %arg2: memref<64xi32, #tpu.memory_space<smem>>, %arg3: memref<64xi32, #tpu.memory_space<smem>>, %arg4: memref<1x1024x128xf32, #tpu.memory_space<vmem>>, %arg5: memref<128x32xf32, #tpu.memory_space<vmem>>, %arg6: memref<1x32xf32, #tpu.memory_space<vmem>>, %arg7: memref<32x1xf32, #tpu.memory_space<vmem>>, %arg8: memref<1x1x8x128xi32, #tpu.memory_space<vmem>>) attributes {dimension_semantics = [#tpu.dimension_semantics<arbitrary>, #tpu.dimension_semantics<arbitrary>], iteration_bounds = array<i64: 64, 8>, scalar_prefetch = 1 : i64, scratch_operands = 0 : i64, tpu.core_type = #tpu.core_type<tc>, window_params = [{transform_indices = @transform_0, window_bounds = array<i64: 64>}, {transform_indices = @transform_1, window_bounds = array<i64: 1, 1024, 128>}, {pipeline_mode = #tpu.pipeline_mode<synchronous>, transform_indices = @transform_2, window_bounds = array<i64: 128, 32>}, {pipeline_mode = #tpu.pipeline_mode<synchronous>, transform_indices = @transform_3, window_bounds = array<i64: 1, 32>}, {pipeline_mode = #tpu.pipeline_mode<synchronous>, transform_indices = @transform_4, window_bounds = array<i64: 32, 1>}, {transform_indices = @transform_5, window_bounds = array<i64: 1, 1, 8, 128>}]} {
    %get3A = arith.index_cast %arg0 : i32 to index
    %get3A_0 = memref.load %arg3[%get3A] : memref<64xi32, #tpu.memory_space<smem>>
    %mul3A = arith.constant 1024 : i32
    %mul3A_1 = arith.muli %arg1, %mul3A : i32
    %gt3A = arith.cmpi sgt, %get3A_0, %mul3A_1 : i32
    %convert_element_type3A = arith.extui %gt3A : i1 to i32
    %cond3A = arith.constant 0 : i32
    %cond3A_2 = arith.cmpi ne, %convert_element_type3A, %cond3A : i32
    scf.if %cond3A_2 {
      %get3A_3 = arith.constant 0 : index
      %get3A_4 = arith.constant 0 : index
      %get3A_5 = arith.constant 0 : index
      %get3A_6 = vector.load %arg4[%get3A_3, %get3A_4, %get3A_5] : memref<1x1024x128xf32, #tpu.memory_space<vmem>>, vector<1x1024x128xf32>
      %get3A_7 = vector.shape_cast %get3A_6 : vector<1x1024x128xf32> to vector<1024x128xf32>
      %get3A_8 = arith.constant 0 : index
      %get3A_9 = arith.constant 0 : index
      %get3A_10 = vector.load %arg5[%get3A_8, %get3A_9] : memref<128x32xf32, #tpu.memory_space<vmem>>, vector<128x32xf32>
      %dot_general3A = arith.constant dense<0.000000e+00> : vector<1024x32xf32>
      %dot_general3A_11 = tpu.matmul %get3A_7, %get3A_10, %dot_general3A {dimension_numbers = #tpu.dot_dimension_numbers<[1], [0], [0], [1], [0, 0, 1, 1], [], []>, transpose_lhs_hint = false} : vector<1024x128xf32>, vector<128x32xf32>, vector<1024x32xf32> -> vector<1024x32xf32>
      %get3A_12 = arith.constant 0 : index
      %get3A_13 = arith.constant 0 : index
      %get3A_14 = vector.load %arg6[%get3A_12, %get3A_13] : memref<1x32xf32, #tpu.memory_space<vmem>>, vector<1x32xf32>
      %add3A = vector.broadcast %get3A_14 : vector<1x32xf32> to vector<1024x32xf32>
      %add3A_15 = arith.addf %dot_general3A_11, %add3A : vector<1024x32xf32>
      %tanh3A = math.tanh %add3A_15 : vector<1024x32xf32>
      %get3A_16 = arith.constant 0 : index
      %get3A_17 = arith.constant 0 : index
      %get3A_18 = vector.load %arg7[%get3A_16, %get3A_17] : memref<32x1xf32, #tpu.memory_space<vmem>>, vector<32x1xf32>
      %dot_general3A_19 = arith.constant dense<0.000000e+00> : vector<1024x1xf32>
      %dot_general3A_20 = tpu.matmul %tanh3A, %get3A_18, %dot_general3A_19 {dimension_numbers = #tpu.dot_dimension_numbers<[1], [0], [0], [1], [0, 0, 1, 1], [], []>, transpose_lhs_hint = false} : vector<1024x32xf32>, vector<32x1xf32>, vector<1024x1xf32> -> vector<1024x1xf32>
      %reshape3A = vector.shape_cast %dot_general3A_20 : vector<1024x1xf32> to vector<8x128xf32>
      %bitcast_convert_type3A = tpu.bitcast %reshape3A : vector<8x128xf32> -> vector<8x128xi32>
      %shift_right_arithmetic3A = arith.constant 31 : i32
      %shift_right_arithmetic3A_21 = vector.broadcast %shift_right_arithmetic3A : i32 to vector<8x128xi32>
      %shift_right_arithmetic3A_22 = arith.shrsi %bitcast_convert_type3A, %shift_right_arithmetic3A_21 : vector<8x128xi32>
      %and3A = arith.constant 2147483647 : i32
      %and3A_23 = vector.broadcast %and3A : i32 to vector<8x128xi32>
      %and3A_24 = arith.andi %shift_right_arithmetic3A_22, %and3A_23 : vector<8x128xi32>
      %xor3A = arith.xori %bitcast_convert_type3A, %and3A_24 : vector<8x128xi32>
      %swap3A = arith.constant 0 : index
      %swap3A_25 = arith.constant 0 : index
      %swap3A_26 = arith.constant 0 : index
      %swap3A_27 = arith.constant 0 : index
      %swap3A_28 = vector.load %arg8[%swap3A, %swap3A_25, %swap3A_26, %swap3A_27] : memref<1x1x8x128xi32, #tpu.memory_space<vmem>>, vector<1x1x8x128xi32>
      %swap3A_29 = vector.shape_cast %swap3A_28 : vector<1x1x8x128xi32> to vector<8x128xi32>
      %swap3A_30 = vector.shape_cast %xor3A : vector<8x128xi32> to vector<1x1x8x128xi32>
      tpu.vector_store %arg8[%swap3A, %swap3A_25, %swap3A_26, %swap3A_27], %swap3A_30 {strides = array<i32>} : memref<1x1x8x128xi32, #tpu.memory_space<vmem>>, vector<1x1x8x128xi32>,
    } else {
    }
    return
  }
  func.func @transform_0(%arg0: i32, %arg1: i32, %arg2: memref<64xi32, #tpu.memory_space<smem>>) -> i32 {
    %c0_i32 = arith.constant 0 : i32
    %c0_i32_0 = arith.constant 0 : i32
    return %c0_i32 : i32
  }
  func.func @transform_1(%arg0: i32, %arg1: i32, %arg2: memref<64xi32, #tpu.memory_space<smem>>) -> (i32, i32, i32) {
    %get3A = arith.index_cast %arg0 : i32 to index
    %get3A_0 = memref.load %arg2[%get3A] : memref<64xi32, #tpu.memory_space<smem>>
    %sub3A = arith.constant 1 : i32
    %sub3A_1 = arith.subi %get3A_0, %sub3A : i32
    %min3A = arith.minsi %arg1, %sub3A_1 : i32
    %c0_i32 = arith.constant 0 : i32
    %c0_i32_2 = arith.constant 0 : i32
    return %arg0, %min3A, %c0_i32 : i32, i32, i32
  }
  func.func @transform_2(%arg0: i32, %arg1: i32, %arg2: memref<64xi32, #tpu.memory_space<smem>>) -> (i32, i32) {
    %c0_i32 = arith.constant 0 : i32
    %c0_i32_0 = arith.constant 0 : i32
    %c0_i32_1 = arith.constant 0 : i32
    return %c0_i32, %c0_i32_0 : i32, i32
  }
  func.func @transform_3(%arg0: i32, %arg1: i32, %arg2: memref<64xi32, #tpu.memory_space<smem>>) -> (i32, i32) {
    %c0_i32 = arith.constant 0 : i32
    %c0_i32_0 = arith.constant 0 : i32
    %c0_i32_1 = arith.constant 0 : i32
    return %c0_i32, %c0_i32_0 : i32, i32
  }
  func.func @transform_4(%arg0: i32, %arg1: i32, %arg2: memref<64xi32, #tpu.memory_space<smem>>) -> (i32, i32) {
    %c0_i32 = arith.constant 0 : i32
    %c0_i32_0 = arith.constant 0 : i32
    %c0_i32_1 = arith.constant 0 : i32
    return %c0_i32, %c0_i32_0 : i32, i32
  }
  func.func @transform_5(%arg0: i32, %arg1: i32, %arg2: memref<64xi32, #tpu.memory_space<smem>>) -> (i32, i32, i32, i32) {
    %c0_i32 = arith.constant 0 : i32
    %c0_i32_0 = arith.constant 0 : i32
    %c0_i32_1 = arith.constant 0 : i32
    return %arg0, %arg1, %c0_i32, %c0_i32_0 : i32, i32, i32, i32
  }
}

module attributes {stable_mosaic.version = 14 : i64} {
  func.func @_radix_kernel(%arg0: memref<64x1xi32, #tpu.memory_space<vmem>>, %arg1: memref<64x8x8x128xi32, #tpu.memory_space<vmem>>, %arg2: memref<64x48xi32, #tpu.memory_space<vmem>>, %arg3: memref<64x16xf32, #tpu.memory_space<vmem>>) attributes {dimension_semantics = [], scalar_prefetch = 0 : i64, scratch_operands = 0 : i64, tpu.core_type = #tpu.core_type<tc>} {
    %get3A = arith.constant 0 : index
    %get3A_0 = arith.constant 0 : index
    %get3A_1 = arith.constant 0 : index
    %get3A_2 = arith.constant 0 : index
    %get3A_3 = vector.load %arg1[%get3A, %get3A_0, %get3A_1, %get3A_2] : memref<64x8x8x128xi32, #tpu.memory_space<vmem>>, vector<64x8x8x128xi32>
    %reshape3A = vector.shape_cast %get3A_3 : vector<64x8x8x128xi32> to vector<64x64x128xi32>
    %iota3A = tpu.iota {dimensions = array<i32: 1>} : vector<64x64x128xi32>
    %iota3A_4 = tpu.iota {dimensions = array<i32: 2>} : vector<64x64x128xi32>
    %mul3A = arith.constant 128 : i32
    %mul3A_5 = vector.broadcast %mul3A : i32 to vector<64x64x128xi32>
    %mul3A_6 = arith.muli %iota3A, %mul3A_5 : vector<64x64x128xi32>
    %add3A = arith.addi %mul3A_6, %iota3A_4 : vector<64x64x128xi32>
    %get3A_7 = arith.constant 0 : index
    %get3A_8 = arith.constant 0 : index
    %get3A_9 = vector.load %arg0[%get3A_7, %get3A_8] : memref<64x1xi32, #tpu.memory_space<vmem>>, vector<64x1xi32>
    %reshape3A_10 = vector.shape_cast %get3A_9 : vector<64x1xi32> to vector<64x1x1xi32>
    %lt3A = vector.broadcast %reshape3A_10 : vector<64x1x1xi32> to vector<64x64x128xi32>
    %lt3A_11 = arith.cmpi slt, %add3A, %lt3A : vector<64x64x128xi32>
    %jit3A = arith.constant -2139095041 : i32
    %broadcast_in_dim3A = vector.broadcast %jit3A : i32 to vector<64x64x128xi32>
    %select_n3A = arith.select %lt3A_11, %reshape3A, %broadcast_in_dim3A : vector<64x64x128xi1>, vector<64x64x128xi32>
    %convert_element_type3A = arith.sitofp %get3A_9 : vector<64x1xi32> to vector<64x1xf32>
    %mul3A_12 = arith.constant 3.500000e-01 : f32
    %mul3A_13 = vector.broadcast %mul3A_12 : f32 to vector<64x1xf32>
    %mul3A_14 = arith.mulf %convert_element_type3A, %mul3A_13 : vector<64x1xf32>
    %convert_element_type3A_15 = arith.fptosi %mul3A_14 : vector<64x1xf32> to vector<64x1xi32>
    %convert_element_type3A_16 = arith.sitofp %convert_element_type3A_15 : vector<64x1xi32> to vector<64x1xf32>
    %lt3A_17 = arith.cmpf olt, %convert_element_type3A_16, %mul3A_14 : vector<64x1xf32>
    %convert_element_type3A_18 = arith.extui %lt3A_17 : vector<64x1xi1> to vector<64x1xi32>
    %add3A_19 = arith.addi %convert_element_type3A_15, %convert_element_type3A_18 : vector<64x1xi32>
    %jit3A_20 = arith.constant 6 : i32
    %jit3A_21 = arith.constant 8192 : i32
    %max3A = vector.broadcast %jit3A_20 : i32 to vector<64x1xi32>
    %max3A_22 = arith.maxsi %max3A, %add3A_19 : vector<64x1xi32>
    %min3A = vector.broadcast %jit3A_21 : i32 to vector<64x1xi32>
    %min3A_23 = arith.minsi %min3A, %max3A_22 : vector<64x1xi32>
    %broadcast_in_dim3A_24 = arith.constant 0 : i32
    %broadcast_in_dim3A_25 = vector.broadcast %broadcast_in_dim3A_24 : i32 to vector<64x1xi32>
    %shift_left3A = arith.constant 1 : i32
    %shift_left3A_26 = arith.constant 31 : i32
    %shift_left3A_27 = arith.shli %shift_left3A, %shift_left3A_26 : i32
    %or3A = vector.broadcast %shift_left3A_27 : i32 to vector<64x1xi32>
    %or3A_28 = arith.ori %broadcast_in_dim3A_25, %or3A : vector<64x1xi32>
    %xor3A = arith.constant -2147483648 : i32
    %xor3A_29 = vector.broadcast %xor3A : i32 to vector<64x1xi32>
    %xor3A_30 = arith.xori %or3A_28, %xor3A_29 : vector<64x1xi32>
    %broadcast_in_dim3A_31 = vector.shape_cast %xor3A_30 : vector<64x1xi32> to vector<64x1x1xi32>
    %ge3A = vector.broadcast %broadcast_in_dim3A_31 : vector<64x1x1xi32> to vector<64x64x128xi32>
    %ge3A_32 = arith.cmpi sge, %select_n3A, %ge3A : vector<64x64x128xi32>
    %convert_element_type3A_33 = arith.extui %ge3A_32 : vector<64x64x128xi1> to vector<64x64x128xi32>
    %reduce_sum3A = arith.constant dense<0> : vector<64x128xi32>
    %reduce_sum3A_34 = vector.multi_reduction <add>, %convert_element_type3A_33, %reduce_sum3A [1] : vector<64x64x128xi32> to vector<64x128xi32>
    %reduce_sum3A_35 = arith.constant dense<0> : vector<64xi32>
    %reduce_sum3A_36 = vector.multi_reduction <add>, %reduce_sum3A_34, %reduce_sum3A_35 [1] : vector<64x128xi32> to vector<64xi32>
    %broadcast_in_dim3A_37 = vector.shape_cast %reduce_sum3A_36 : vector<64xi32> to vector<64x1xi32>
    %ge3A_38 = arith.cmpi sge, %broadcast_in_dim3A_37, %min3A_23 : vector<64x1xi32>
    %select_n3A_39 = arith.select %ge3A_38, %or3A_28, %broadcast_in_dim3A_25 : vector<64x1xi1>, vector<64x1xi32>
    %shift_left3A_40 = arith.constant 1 : i32
    %shift_left3A_41 = arith.constant 30 : i32
    %shift_left3A_42 = arith.shli %shift_left3A_40, %shift_left3A_41 : i32
    %or3A_43 = vector.broadcast %shift_left3A_42 : i32 to vector<64x1xi32>
    %or3A_44 = arith.ori %select_n3A_39, %or3A_43 : vector<64x1xi32>
    %xor3A_45 = arith.constant -2147483648 : i32
    %xor3A_46 = vector.broadcast %xor3A_45 : i32 to vector<64x1xi32>
    %xor3A_47 = arith.xori %or3A_44, %xor3A_46 : vector<64x1xi32>
    %broadcast_in_dim3A_48 = vector.shape_cast %xor3A_47 : vector<64x1xi32> to vector<64x1x1xi32>
    %ge3A_49 = vector.broadcast %broadcast_in_dim3A_48 : vector<64x1x1xi32> to vector<64x64x128xi32>
    %ge3A_50 = arith.cmpi sge, %select_n3A, %ge3A_49 : vector<64x64x128xi32>
    %convert_element_type3A_51 = arith.extui %ge3A_50 : vector<64x64x128xi1> to vector<64x64x128xi32>
    %reduce_sum3A_52 = arith.constant dense<0> : vector<64x128xi32>
    %reduce_sum3A_53 = vector.multi_reduction <add>, %convert_element_type3A_51, %reduce_sum3A_52 [1] : vector<64x64x128xi32> to vector<64x128xi32>
    %reduce_sum3A_54 = arith.constant dense<0> : vector<64xi32>
    %reduce_sum3A_55 = vector.multi_reduction <add>, %reduce_sum3A_53, %reduce_sum3A_54 [1] : vector<64x128xi32> to vector<64xi32>
    %broadcast_in_dim3A_56 = vector.shape_cast %reduce_sum3A_55 : vector<64xi32> to vector<64x1xi32>
    %ge3A_57 = arith.cmpi sge, %broadcast_in_dim3A_56, %min3A_23 : vector<64x1xi32>
    %select_n3A_58 = arith.select %ge3A_57, %or3A_44, %select_n3A_39 : vector<64x1xi1>, vector<64x1xi32>
    %shift_left3A_59 = arith.constant 1 : i32
    %shift_left3A_60 = arith.constant 29 : i32
    %shift_left3A_61 = arith.shli %shift_left3A_59, %shift_left3A_60 : i32
    %or3A_62 = vector.broadcast %shift_left3A_61 : i32 to vector<64x1xi32>
    %or3A_63 = arith.ori %select_n3A_58, %or3A_62 : vector<64x1xi32>
    %xor3A_64 = arith.constant -2147483648 : i32
    %xor3A_65 = vector.broadcast %xor3A_64 : i32 to vector<64x1xi32>
    %xor3A_66 = arith.xori %or3A_63, %xor3A_65 : vector<64x1xi32>
    %broadcast_in_dim3A_67 = vector.shape_cast %xor3A_66 : vector<64x1xi32> to vector<64x1x1xi32>
    %ge3A_68 = vector.broadcast %broadcast_in_dim3A_67 : vector<64x1x1xi32> to vector<64x64x128xi32>
    %ge3A_69 = arith.cmpi sge, %select_n3A, %ge3A_68 : vector<64x64x128xi32>
    %convert_element_type3A_70 = arith.extui %ge3A_69 : vector<64x64x128xi1> to vector<64x64x128xi32>
    %reduce_sum3A_71 = arith.constant dense<0> : vector<64x128xi32>
    %reduce_sum3A_72 = vector.multi_reduction <add>, %convert_element_type3A_70, %reduce_sum3A_71 [1] : vector<64x64x128xi32> to vector<64x128xi32>
    %reduce_sum3A_73 = arith.constant dense<0> : vector<64xi32>
    %reduce_sum3A_74 = vector.multi_reduction <add>, %reduce_sum3A_72, %reduce_sum3A_73 [1] : vector<64x128xi32> to vector<64xi32>
    %broadcast_in_dim3A_75 = vector.shape_cast %reduce_sum3A_74 : vector<64xi32> to vector<64x1xi32>
    %ge3A_76 = arith.cmpi sge, %broadcast_in_dim3A_75, %min3A_23 : vector<64x1xi32>
    %select_n3A_77 = arith.select %ge3A_76, %or3A_63, %select_n3A_58 : vector<64x1xi1>, vector<64x1xi32>
    %shift_left3A_78 = arith.constant 1 : i32
    %shift_left3A_79 = arith.constant 28 : i32
    %shift_left3A_80 = arith.shli %shift_left3A_78, %shift_left3A_79 : i32
    %or3A_81 = vector.broadcast %shift_left3A_80 : i32 to vector<64x1xi32>
    %or3A_82 = arith.ori %select_n3A_77, %or3A_81 : vector<64x1xi32>
    %xor3A_83 = arith.constant -2147483648 : i32
    %xor3A_84 = vector.broadcast %xor3A_83 : i32 to vector<64x1xi32>
    %xor3A_85 = arith.xori %or3A_82, %xor3A_84 : vector<64x1xi32>
    %broadcast_in_dim3A_86 = vector.shape_cast %xor3A_85 : vector<64x1xi32> to vector<64x1x1xi32>
    %ge3A_87 = vector.broadcast %broadcast_in_dim3A_86 : vector<64x1x1xi32> to vector<64x64x128xi32>
    %ge3A_88 = arith.cmpi sge, %select_n3A, %ge3A_87 : vector<64x64x128xi32>
    %convert_element_type3A_89 = arith.extui %ge3A_88 : vector<64x64x128xi1> to vector<64x64x128xi32>
    %reduce_sum3A_90 = arith.constant dense<0> : vector<64x128xi32>
    %reduce_sum3A_91 = vector.multi_reduction <add>, %convert_element_type3A_89, %reduce_sum3A_90 [1] : vector<64x64x128xi32> to vector<64x128xi32>
    %reduce_sum3A_92 = arith.constant dense<0> : vector<64xi32>
    %reduce_sum3A_93 = vector.multi_reduction <add>, %reduce_sum3A_91, %reduce_sum3A_92 [1] : vector<64x128xi32> to vector<64xi32>
    %broadcast_in_dim3A_94 = vector.shape_cast %reduce_sum3A_93 : vector<64xi32> to vector<64x1xi32>
    %ge3A_95 = arith.cmpi sge, %broadcast_in_dim3A_94, %min3A_23 : vector<64x1xi32>
    %select_n3A_96 = arith.select %ge3A_95, %or3A_82, %select_n3A_77 : vector<64x1xi1>, vector<64x1xi32>
    %shift_left3A_97 = arith.constant 1 : i32
    %shift_left3A_98 = arith.constant 27 : i32
    %shift_left3A_99 = arith.shli %shift_left3A_97, %shift_left3A_98 : i32
    %or3A_100 = vector.broadcast %shift_left3A_99 : i32 to vector<64x1xi32>
    %or3A_101 = arith.ori %select_n3A_96, %or3A_100 : vector<64x1xi32>
    %xor3A_102 = arith.constant -2147483648 : i32
    %xor3A_103 = vector.broadcast %xor3A_102 : i32 to vector<64x1xi32>
    %xor3A_104 = arith.xori %or3A_101, %xor3A_103 : vector<64x1xi32>
    %broadcast_in_dim3A_105 = vector.shape_cast %xor3A_104 : vector<64x1xi32> to vector<64x1x1xi32>
    %ge3A_106 = vector.broadcast %broadcast_in_dim3A_105 : vector<64x1x1xi32> to vector<64x64x128xi32>
    %ge3A_107 = arith.cmpi sge, %select_n3A, %ge3A_106 : vector<64x64x128xi32>
    %convert_element_type3A_108 = arith.extui %ge3A_107 : vector<64x64x128xi1> to vector<64x64x128xi32>
    %reduce_sum3A_109 = arith.constant dense<0> : vector<64x128xi32>
    %reduce_sum3A_110 = vector.multi_reduction <add>, %convert_element_type3A_108, %reduce_sum3A_109 [1] : vector<64x64x128xi32> to vector<64x128xi32>
    %reduce_sum3A_111 = arith.constant dense<0> : vector<64xi32>
    %reduce_sum3A_112 = vector.multi_reduction <add>, %reduce_sum3A_110, %reduce_sum3A_111 [1] : vector<64x128xi32> to vector<64xi32>
    %broadcast_in_dim3A_113 = vector.shape_cast %reduce_sum3A_112 : vector<64xi32> to vector<64x1xi32>
    %ge3A_114 = arith.cmpi sge, %broadcast_in_dim3A_113, %min3A_23 : vector<64x1xi32>
    %select_n3A_115 = arith.select %ge3A_114, %or3A_101, %select_n3A_96 : vector<64x1xi1>, vector<64x1xi32>
    %shift_left3A_116 = arith.constant 1 : i32
    %shift_left3A_117 = arith.constant 26 : i32
    %shift_left3A_118 = arith.shli %shift_left3A_116, %shift_left3A_117 : i32
    %or3A_119 = vector.broadcast %shift_left3A_118 : i32 to vector<64x1xi32>
    %or3A_120 = arith.ori %select_n3A_115, %or3A_119 : vector<64x1xi32>
    %xor3A_121 = arith.constant -2147483648 : i32
    %xor3A_122 = vector.broadcast %xor3A_121 : i32 to vector<64x1xi32>
    %xor3A_123 = arith.xori %or3A_120, %xor3A_122 : vector<64x1xi32>
    %broadcast_in_dim3A_124 = vector.shape_cast %xor3A_123 : vector<64x1xi32> to vector<64x1x1xi32>
    %ge3A_125 = vector.broadcast %broadcast_in_dim3A_124 : vector<64x1x1xi32> to vector<64x64x128xi32>
    %ge3A_126 = arith.cmpi sge, %select_n3A, %ge3A_125 : vector<64x64x128xi32>
    %convert_element_type3A_127 = arith.extui %ge3A_126 : vector<64x64x128xi1> to vector<64x64x128xi32>
    %reduce_sum3A_128 = arith.constant dense<0> : vector<64x128xi32>
    %reduce_sum3A_129 = vector.multi_reduction <add>, %convert_element_type3A_127, %reduce_sum3A_128 [1] : vector<64x64x128xi32> to vector<64x128xi32>
    %reduce_sum3A_130 = arith.constant dense<0> : vector<64xi32>
    %reduce_sum3A_131 = vector.multi_reduction <add>, %reduce_sum3A_129, %reduce_sum3A_130 [1] : vector<64x128xi32> to vector<64xi32>
    %broadcast_in_dim3A_132 = vector.shape_cast %reduce_sum3A_131 : vector<64xi32> to vector<64x1xi32>
    %ge3A_133 = arith.cmpi sge, %broadcast_in_dim3A_132, %min3A_23 : vector<64x1xi32>
    %select_n3A_134 = arith.select %ge3A_133, %or3A_120, %select_n3A_115 : vector<64x1xi1>, vector<64x1xi32>
    %shift_left3A_135 = arith.constant 1 : i32
    %shift_left3A_136 = arith.constant 25 : i32
    %shift_left3A_137 = arith.shli %shift_left3A_135, %shift_left3A_136 : i32
    %or3A_138 = vector.broadcast %shift_left3A_137 : i32 to vector<64x1xi32>
    %or3A_139 = arith.ori %select_n3A_134, %or3A_138 : vector<64x1xi32>
    %xor3A_140 = arith.constant -2147483648 : i32
    %xor3A_141 = vector.broadcast %xor3A_140 : i32 to vector<64x1xi32>
    %xor3A_142 = arith.xori %or3A_139, %xor3A_141 : vector<64x1xi32>
    %broadcast_in_dim3A_143 = vector.shape_cast %xor3A_142 : vector<64x1xi32> to vector<64x1x1xi32>
    %ge3A_144 = vector.broadcast %broadcast_in_dim3A_143 : vector<64x1x1xi32> to vector<64x64x128xi32>
    %ge3A_145 = arith.cmpi sge, %select_n3A, %ge3A_144 : vector<64x64x128xi32>
    %convert_element_type3A_146 = arith.extui %ge3A_145 : vector<64x64x128xi1> to vector<64x64x128xi32>
    %reduce_sum3A_147 = arith.constant dense<0> : vector<64x128xi32>
    %reduce_sum3A_148 = vector.multi_reduction <add>, %convert_element_type3A_146, %reduce_sum3A_147 [1] : vector<64x64x128xi32> to vector<64x128xi32>
    %reduce_sum3A_149 = arith.constant dense<0> : vector<64xi32>
    %reduce_sum3A_150 = vector.multi_reduction <add>, %reduce_sum3A_148, %reduce_sum3A_149 [1] : vector<64x128xi32> to vector<64xi32>
    %broadcast_in_dim3A_151 = vector.shape_cast %reduce_sum3A_150 : vector<64xi32> to vector<64x1xi32>
    %ge3A_152 = arith.cmpi sge, %broadcast_in_dim3A_151, %min3A_23 : vector<64x1xi32>
    %select_n3A_153 = arith.select %ge3A_152, %or3A_139, %select_n3A_134 : vector<64x1xi1>, vector<64x1xi32>
    %shift_left3A_154 = arith.constant 1 : i32
    %shift_left3A_155 = arith.constant 24 : i32
    %shift_left3A_156 = arith.shli %shift_left3A_154, %shift_left3A_155 : i32
    %or3A_157 = vector.broadcast %shift_left3A_156 : i32 to vector<64x1xi32>
    %or3A_158 = arith.ori %select_n3A_153, %or3A_157 : vector<64x1xi32>
    %xor3A_159 = arith.constant -2147483648 : i32
    %xor3A_160 = vector.broadcast %xor3A_159 : i32 to vector<64x1xi32>
    %xor3A_161 = arith.xori %or3A_158, %xor3A_160 : vector<64x1xi32>
    %broadcast_in_dim3A_162 = vector.shape_cast %xor3A_161 : vector<64x1xi32> to vector<64x1x1xi32>
    %ge3A_163 = vector.broadcast %broadcast_in_dim3A_162 : vector<64x1x1xi32> to vector<64x64x128xi32>
    %ge3A_164 = arith.cmpi sge, %select_n3A, %ge3A_163 : vector<64x64x128xi32>
    %convert_element_type3A_165 = arith.extui %ge3A_164 : vector<64x64x128xi1> to vector<64x64x128xi32>
    %reduce_sum3A_166 = arith.constant dense<0> : vector<64x128xi32>
    %reduce_sum3A_167 = vector.multi_reduction <add>, %convert_element_type3A_165, %reduce_sum3A_166 [1] : vector<64x64x128xi32> to vector<64x128xi32>
    %reduce_sum3A_168 = arith.constant dense<0> : vector<64xi32>
    %reduce_sum3A_169 = vector.multi_reduction <add>, %reduce_sum3A_167, %reduce_sum3A_168 [1] : vector<64x128xi32> to vector<64xi32>
    %broadcast_in_dim3A_170 = vector.shape_cast %reduce_sum3A_169 : vector<64xi32> to vector<64x1xi32>
    %ge3A_171 = arith.cmpi sge, %broadcast_in_dim3A_170, %min3A_23 : vector<64x1xi32>
    %select_n3A_172 = arith.select %ge3A_171, %or3A_158, %select_n3A_153 : vector<64x1xi1>, vector<64x1xi32>
    %shift_left3A_173 = arith.constant 1 : i32
    %shift_left3A_174 = arith.constant 23 : i32
    %shift_left3A_175 = arith.shli %shift_left3A_173, %shift_left3A_174 : i32
    %or3A_176 = vector.broadcast %shift_left3A_175 : i32 to vector<64x1xi32>
    %or3A_177 = arith.ori %select_n3A_172, %or3A_176 : vector<64x1xi32>
    %xor3A_178 = arith.constant -2147483648 : i32
    %xor3A_179 = vector.broadcast %xor3A_178 : i32 to vector<64x1xi32>
    %xor3A_180 = arith.xori %or3A_177, %xor3A_179 : vector<64x1xi32>
    %broadcast_in_dim3A_181 = vector.shape_cast %xor3A_180 : vector<64x1xi32> to vector<64x1x1xi32>
    %ge3A_182 = vector.broadcast %broadcast_in_dim3A_181 : vector<64x1x1xi32> to vector<64x64x128xi32>
    %ge3A_183 = arith.cmpi sge, %select_n3A, %ge3A_182 : vector<64x64x128xi32>
    %convert_element_type3A_184 = arith.extui %ge3A_183 : vector<64x64x128xi1> to vector<64x64x128xi32>
    %reduce_sum3A_185 = arith.constant dense<0> : vector<64x128xi32>
    %reduce_sum3A_186 = vector.multi_reduction <add>, %convert_element_type3A_184, %reduce_sum3A_185 [1] : vector<64x64x128xi32> to vector<64x128xi32>
    %reduce_sum3A_187 = arith.constant dense<0> : vector<64xi32>
    %reduce_sum3A_188 = vector.multi_reduction <add>, %reduce_sum3A_186, %reduce_sum3A_187 [1] : vector<64x128xi32> to vector<64xi32>
    %broadcast_in_dim3A_189 = vector.shape_cast %reduce_sum3A_188 : vector<64xi32> to vector<64x1xi32>
    %ge3A_190 = arith.cmpi sge, %broadcast_in_dim3A_189, %min3A_23 : vector<64x1xi32>
    %select_n3A_191 = arith.select %ge3A_190, %or3A_177, %select_n3A_172 : vector<64x1xi1>, vector<64x1xi32>
    %shift_left3A_192 = arith.constant 1 : i32
    %shift_left3A_193 = arith.constant 22 : i32
    %shift_left3A_194 = arith.shli %shift_left3A_192, %shift_left3A_193 : i32
    %or3A_195 = vector.broadcast %shift_left3A_194 : i32 to vector<64x1xi32>
    %or3A_196 = arith.ori %select_n3A_191, %or3A_195 : vector<64x1xi32>
    %xor3A_197 = arith.constant -2147483648 : i32
    %xor3A_198 = vector.broadcast %xor3A_197 : i32 to vector<64x1xi32>
    %xor3A_199 = arith.xori %or3A_196, %xor3A_198 : vector<64x1xi32>
    %broadcast_in_dim3A_200 = vector.shape_cast %xor3A_199 : vector<64x1xi32> to vector<64x1x1xi32>
    %ge3A_201 = vector.broadcast %broadcast_in_dim3A_200 : vector<64x1x1xi32> to vector<64x64x128xi32>
    %ge3A_202 = arith.cmpi sge, %select_n3A, %ge3A_201 : vector<64x64x128xi32>
    %convert_element_type3A_203 = arith.extui %ge3A_202 : vector<64x64x128xi1> to vector<64x64x128xi32>
    %reduce_sum3A_204 = arith.constant dense<0> : vector<64x128xi32>
    %reduce_sum3A_205 = vector.multi_reduction <add>, %convert_element_type3A_203, %reduce_sum3A_204 [1] : vector<64x64x128xi32> to vector<64x128xi32>
    %reduce_sum3A_206 = arith.constant dense<0> : vector<64xi32>
    %reduce_sum3A_207 = vector.multi_reduction <add>, %reduce_sum3A_205, %reduce_sum3A_206 [1] : vector<64x128xi32> to vector<64xi32>
    %broadcast_in_dim3A_208 = vector.shape_cast %reduce_sum3A_207 : vector<64xi32> to vector<64x1xi32>
    %ge3A_209 = arith.cmpi sge, %broadcast_in_dim3A_208, %min3A_23 : vector<64x1xi32>
    %select_n3A_210 = arith.select %ge3A_209, %or3A_196, %select_n3A_191 : vector<64x1xi1>, vector<64x1xi32>
    %shift_left3A_211 = arith.constant 1 : i32
    %shift_left3A_212 = arith.constant 21 : i32
    %shift_left3A_213 = arith.shli %shift_left3A_211, %shift_left3A_212 : i32
    %or3A_214 = vector.broadcast %shift_left3A_213 : i32 to vector<64x1xi32>
    %or3A_215 = arith.ori %select_n3A_210, %or3A_214 : vector<64x1xi32>
    %xor3A_216 = arith.constant -2147483648 : i32
    %xor3A_217 = vector.broadcast %xor3A_216 : i32 to vector<64x1xi32>
    %xor3A_218 = arith.xori %or3A_215, %xor3A_217 : vector<64x1xi32>
    %broadcast_in_dim3A_219 = vector.shape_cast %xor3A_218 : vector<64x1xi32> to vector<64x1x1xi32>
    %ge3A_220 = vector.broadcast %broadcast_in_dim3A_219 : vector<64x1x1xi32> to vector<64x64x128xi32>
    %ge3A_221 = arith.cmpi sge, %select_n3A, %ge3A_220 : vector<64x64x128xi32>
    %convert_element_type3A_222 = arith.extui %ge3A_221 : vector<64x64x128xi1> to vector<64x64x128xi32>
    %reduce_sum3A_223 = arith.constant dense<0> : vector<64x128xi32>
    %reduce_sum3A_224 = vector.multi_reduction <add>, %convert_element_type3A_222, %reduce_sum3A_223 [1] : vector<64x64x128xi32> to vector<64x128xi32>
    %reduce_sum3A_225 = arith.constant dense<0> : vector<64xi32>
    %reduce_sum3A_226 = vector.multi_reduction <add>, %reduce_sum3A_224, %reduce_sum3A_225 [1] : vector<64x128xi32> to vector<64xi32>
    %broadcast_in_dim3A_227 = vector.shape_cast %reduce_sum3A_226 : vector<64xi32> to vector<64x1xi32>
    %ge3A_228 = arith.cmpi sge, %broadcast_in_dim3A_227, %min3A_23 : vector<64x1xi32>
    %select_n3A_229 = arith.select %ge3A_228, %or3A_215, %select_n3A_210 : vector<64x1xi1>, vector<64x1xi32>
    %shift_left3A_230 = arith.constant 1 : i32
    %shift_left3A_231 = arith.constant 20 : i32
    %shift_left3A_232 = arith.shli %shift_left3A_230, %shift_left3A_231 : i32
    %or3A_233 = vector.broadcast %shift_left3A_232 : i32 to vector<64x1xi32>
    %or3A_234 = arith.ori %select_n3A_229, %or3A_233 : vector<64x1xi32>
    %xor3A_235 = arith.constant -2147483648 : i32
    %xor3A_236 = vector.broadcast %xor3A_235 : i32 to vector<64x1xi32>
    %xor3A_237 = arith.xori %or3A_234, %xor3A_236 : vector<64x1xi32>
    %broadcast_in_dim3A_238 = vector.shape_cast %xor3A_237 : vector<64x1xi32> to vector<64x1x1xi32>
    %ge3A_239 = vector.broadcast %broadcast_in_dim3A_238 : vector<64x1x1xi32> to vector<64x64x128xi32>
    %ge3A_240 = arith.cmpi sge, %select_n3A, %ge3A_239 : vector<64x64x128xi32>
    %convert_element_type3A_241 = arith.extui %ge3A_240 : vector<64x64x128xi1> to vector<64x64x128xi32>
    %reduce_sum3A_242 = arith.constant dense<0> : vector<64x128xi32>
    %reduce_sum3A_243 = vector.multi_reduction <add>, %convert_element_type3A_241, %reduce_sum3A_242 [1] : vector<64x64x128xi32> to vector<64x128xi32>
    %reduce_sum3A_244 = arith.constant dense<0> : vector<64xi32>
    %reduce_sum3A_245 = vector.multi_reduction <add>, %reduce_sum3A_243, %reduce_sum3A_244 [1] : vector<64x128xi32> to vector<64xi32>
    %broadcast_in_dim3A_246 = vector.shape_cast %reduce_sum3A_245 : vector<64xi32> to vector<64x1xi32>
    %ge3A_247 = arith.cmpi sge, %broadcast_in_dim3A_246, %min3A_23 : vector<64x1xi32>
    %select_n3A_248 = arith.select %ge3A_247, %or3A_234, %select_n3A_229 : vector<64x1xi1>, vector<64x1xi32>
    %shift_left3A_249 = arith.constant 1 : i32
    %shift_left3A_250 = arith.constant 19 : i32
    %shift_left3A_251 = arith.shli %shift_left3A_249, %shift_left3A_250 : i32
    %or3A_252 = vector.broadcast %shift_left3A_251 : i32 to vector<64x1xi32>
    %or3A_253 = arith.ori %select_n3A_248, %or3A_252 : vector<64x1xi32>
    %xor3A_254 = arith.constant -2147483648 : i32
    %xor3A_255 = vector.broadcast %xor3A_254 : i32 to vector<64x1xi32>
    %xor3A_256 = arith.xori %or3A_253, %xor3A_255 : vector<64x1xi32>
    %broadcast_in_dim3A_257 = vector.shape_cast %xor3A_256 : vector<64x1xi32> to vector<64x1x1xi32>
    %ge3A_258 = vector.broadcast %broadcast_in_dim3A_257 : vector<64x1x1xi32> to vector<64x64x128xi32>
    %ge3A_259 = arith.cmpi sge, %select_n3A, %ge3A_258 : vector<64x64x128xi32>
    %convert_element_type3A_260 = arith.extui %ge3A_259 : vector<64x64x128xi1> to vector<64x64x128xi32>
    %reduce_sum3A_261 = arith.constant dense<0> : vector<64x128xi32>
    %reduce_sum3A_262 = vector.multi_reduction <add>, %convert_element_type3A_260, %reduce_sum3A_261 [1] : vector<64x64x128xi32> to vector<64x128xi32>
    %reduce_sum3A_263 = arith.constant dense<0> : vector<64xi32>
    %reduce_sum3A_264 = vector.multi_reduction <add>, %reduce_sum3A_262, %reduce_sum3A_263 [1] : vector<64x128xi32> to vector<64xi32>
    %broadcast_in_dim3A_265 = vector.shape_cast %reduce_sum3A_264 : vector<64xi32> to vector<64x1xi32>
    %ge3A_266 = arith.cmpi sge, %broadcast_in_dim3A_265, %min3A_23 : vector<64x1xi32>
    %select_n3A_267 = arith.select %ge3A_266, %or3A_253, %select_n3A_248 : vector<64x1xi1>, vector<64x1xi32>
    %shift_left3A_268 = arith.constant 1 : i32
    %shift_left3A_269 = arith.constant 18 : i32
    %shift_left3A_270 = arith.shli %shift_left3A_268, %shift_left3A_269 : i32
    %or3A_271 = vector.broadcast %shift_left3A_270 : i32 to vector<64x1xi32>
    %or3A_272 = arith.ori %select_n3A_267, %or3A_271 : vector<64x1xi32>
    %xor3A_273 = arith.constant -2147483648 : i32
    %xor3A_274 = vector.broadcast %xor3A_273 : i32 to vector<64x1xi32>
    %xor3A_275 = arith.xori %or3A_272, %xor3A_274 : vector<64x1xi32>
    %broadcast_in_dim3A_276 = vector.shape_cast %xor3A_275 : vector<64x1xi32> to vector<64x1x1xi32>
    %ge3A_277 = vector.broadcast %broadcast_in_dim3A_276 : vector<64x1x1xi32> to vector<64x64x128xi32>
    %ge3A_278 = arith.cmpi sge, %select_n3A, %ge3A_277 : vector<64x64x128xi32>
    %convert_element_type3A_279 = arith.extui %ge3A_278 : vector<64x64x128xi1> to vector<64x64x128xi32>
    %reduce_sum3A_280 = arith.constant dense<0> : vector<64x128xi32>
    %reduce_sum3A_281 = vector.multi_reduction <add>, %convert_element_type3A_279, %reduce_sum3A_280 [1] : vector<64x64x128xi32> to vector<64x128xi32>
    %reduce_sum3A_282 = arith.constant dense<0> : vector<64xi32>
    %reduce_sum3A_283 = vector.multi_reduction <add>, %reduce_sum3A_281, %reduce_sum3A_282 [1] : vector<64x128xi32> to vector<64xi32>
    %broadcast_in_dim3A_284 = vector.shape_cast %reduce_sum3A_283 : vector<64xi32> to vector<64x1xi32>
    %ge3A_285 = arith.cmpi sge, %broadcast_in_dim3A_284, %min3A_23 : vector<64x1xi32>
    %select_n3A_286 = arith.select %ge3A_285, %or3A_272, %select_n3A_267 : vector<64x1xi1>, vector<64x1xi32>
    %shift_left3A_287 = arith.constant 1 : i32
    %shift_left3A_288 = arith.constant 17 : i32
    %shift_left3A_289 = arith.shli %shift_left3A_287, %shift_left3A_288 : i32
    %or3A_290 = vector.broadcast %shift_left3A_289 : i32 to vector<64x1xi32>
    %or3A_291 = arith.ori %select_n3A_286, %or3A_290 : vector<64x1xi32>
    %xor3A_292 = arith.constant -2147483648 : i32
    %xor3A_293 = vector.broadcast %xor3A_292 : i32 to vector<64x1xi32>
    %xor3A_294 = arith.xori %or3A_291, %xor3A_293 : vector<64x1xi32>
    %broadcast_in_dim3A_295 = vector.shape_cast %xor3A_294 : vector<64x1xi32> to vector<64x1x1xi32>
    %ge3A_296 = vector.broadcast %broadcast_in_dim3A_295 : vector<64x1x1xi32> to vector<64x64x128xi32>
    %ge3A_297 = arith.cmpi sge, %select_n3A, %ge3A_296 : vector<64x64x128xi32>
    %convert_element_type3A_298 = arith.extui %ge3A_297 : vector<64x64x128xi1> to vector<64x64x128xi32>
    %reduce_sum3A_299 = arith.constant dense<0> : vector<64x128xi32>
    %reduce_sum3A_300 = vector.multi_reduction <add>, %convert_element_type3A_298, %reduce_sum3A_299 [1] : vector<64x64x128xi32> to vector<64x128xi32>
    %reduce_sum3A_301 = arith.constant dense<0> : vector<64xi32>
    %reduce_sum3A_302 = vector.multi_reduction <add>, %reduce_sum3A_300, %reduce_sum3A_301 [1] : vector<64x128xi32> to vector<64xi32>
    %broadcast_in_dim3A_303 = vector.shape_cast %reduce_sum3A_302 : vector<64xi32> to vector<64x1xi32>
    %ge3A_304 = arith.cmpi sge, %broadcast_in_dim3A_303, %min3A_23 : vector<64x1xi32>
    %select_n3A_305 = arith.select %ge3A_304, %or3A_291, %select_n3A_286 : vector<64x1xi1>, vector<64x1xi32>
    %shift_left3A_306 = arith.constant 1 : i32
    %shift_left3A_307 = arith.constant 16 : i32
    %shift_left3A_308 = arith.shli %shift_left3A_306, %shift_left3A_307 : i32
    %or3A_309 = vector.broadcast %shift_left3A_308 : i32 to vector<64x1xi32>
    %or3A_310 = arith.ori %select_n3A_305, %or3A_309 : vector<64x1xi32>
    %xor3A_311 = arith.constant -2147483648 : i32
    %xor3A_312 = vector.broadcast %xor3A_311 : i32 to vector<64x1xi32>
    %xor3A_313 = arith.xori %or3A_310, %xor3A_312 : vector<64x1xi32>
    %broadcast_in_dim3A_314 = vector.shape_cast %xor3A_313 : vector<64x1xi32> to vector<64x1x1xi32>
    %ge3A_315 = vector.broadcast %broadcast_in_dim3A_314 : vector<64x1x1xi32> to vector<64x64x128xi32>
    %ge3A_316 = arith.cmpi sge, %select_n3A, %ge3A_315 : vector<64x64x128xi32>
    %convert_element_type3A_317 = arith.extui %ge3A_316 : vector<64x64x128xi1> to vector<64x64x128xi32>
    %reduce_sum3A_318 = arith.constant dense<0> : vector<64x128xi32>
    %reduce_sum3A_319 = vector.multi_reduction <add>, %convert_element_type3A_317, %reduce_sum3A_318 [1] : vector<64x64x128xi32> to vector<64x128xi32>
    %reduce_sum3A_320 = arith.constant dense<0> : vector<64xi32>
    %reduce_sum3A_321 = vector.multi_reduction <add>, %reduce_sum3A_319, %reduce_sum3A_320 [1] : vector<64x128xi32> to vector<64xi32>
    %broadcast_in_dim3A_322 = vector.shape_cast %reduce_sum3A_321 : vector<64xi32> to vector<64x1xi32>
    %ge3A_323 = arith.cmpi sge, %broadcast_in_dim3A_322, %min3A_23 : vector<64x1xi32>
    %select_n3A_324 = arith.select %ge3A_323, %or3A_310, %select_n3A_305 : vector<64x1xi1>, vector<64x1xi32>
    %shift_left3A_325 = arith.constant 1 : i32
    %shift_left3A_326 = arith.constant 15 : i32
    %shift_left3A_327 = arith.shli %shift_left3A_325, %shift_left3A_326 : i32
    %or3A_328 = vector.broadcast %shift_left3A_327 : i32 to vector<64x1xi32>
    %or3A_329 = arith.ori %select_n3A_324, %or3A_328 : vector<64x1xi32>
    %xor3A_330 = arith.constant -2147483648 : i32
    %xor3A_331 = vector.broadcast %xor3A_330 : i32 to vector<64x1xi32>
    %xor3A_332 = arith.xori %or3A_329, %xor3A_331 : vector<64x1xi32>
    %broadcast_in_dim3A_333 = vector.shape_cast %xor3A_332 : vector<64x1xi32> to vector<64x1x1xi32>
    %ge3A_334 = vector.broadcast %broadcast_in_dim3A_333 : vector<64x1x1xi32> to vector<64x64x128xi32>
    %ge3A_335 = arith.cmpi sge, %select_n3A, %ge3A_334 : vector<64x64x128xi32>
    %convert_element_type3A_336 = arith.extui %ge3A_335 : vector<64x64x128xi1> to vector<64x64x128xi32>
    %reduce_sum3A_337 = arith.constant dense<0> : vector<64x128xi32>
    %reduce_sum3A_338 = vector.multi_reduction <add>, %convert_element_type3A_336, %reduce_sum3A_337 [1] : vector<64x64x128xi32> to vector<64x128xi32>
    %reduce_sum3A_339 = arith.constant dense<0> : vector<64xi32>
    %reduce_sum3A_340 = vector.multi_reduction <add>, %reduce_sum3A_338, %reduce_sum3A_339 [1] : vector<64x128xi32> to vector<64xi32>
    %broadcast_in_dim3A_341 = vector.shape_cast %reduce_sum3A_340 : vector<64xi32> to vector<64x1xi32>
    %ge3A_342 = arith.cmpi sge, %broadcast_in_dim3A_341, %min3A_23 : vector<64x1xi32>
    %select_n3A_343 = arith.select %ge3A_342, %or3A_329, %select_n3A_324 : vector<64x1xi1>, vector<64x1xi32>
    %shift_left3A_344 = arith.constant 1 : i32
    %shift_left3A_345 = arith.constant 14 : i32
    %shift_left3A_346 = arith.shli %shift_left3A_344, %shift_left3A_345 : i32
    %or3A_347 = vector.broadcast %shift_left3A_346 : i32 to vector<64x1xi32>
    %or3A_348 = arith.ori %select_n3A_343, %or3A_347 : vector<64x1xi32>
    %xor3A_349 = arith.constant -2147483648 : i32
    %xor3A_350 = vector.broadcast %xor3A_349 : i32 to vector<64x1xi32>
    %xor3A_351 = arith.xori %or3A_348, %xor3A_350 : vector<64x1xi32>
    %broadcast_in_dim3A_352 = vector.shape_cast %xor3A_351 : vector<64x1xi32> to vector<64x1x1xi32>
    %ge3A_353 = vector.broadcast %broadcast_in_dim3A_352 : vector<64x1x1xi32> to vector<64x64x128xi32>
    %ge3A_354 = arith.cmpi sge, %select_n3A, %ge3A_353 : vector<64x64x128xi32>
    %convert_element_type3A_355 = arith.extui %ge3A_354 : vector<64x64x128xi1> to vector<64x64x128xi32>
    %reduce_sum3A_356 = arith.constant dense<0> : vector<64x128xi32>
    %reduce_sum3A_357 = vector.multi_reduction <add>, %convert_element_type3A_355, %reduce_sum3A_356 [1] : vector<64x64x128xi32> to vector<64x128xi32>
    %reduce_sum3A_358 = arith.constant dense<0> : vector<64xi32>
    %reduce_sum3A_359 = vector.multi_reduction <add>, %reduce_sum3A_357, %reduce_sum3A_358 [1] : vector<64x128xi32> to vector<64xi32>
    %broadcast_in_dim3A_360 = vector.shape_cast %reduce_sum3A_359 : vector<64xi32> to vector<64x1xi32>
    %ge3A_361 = arith.cmpi sge, %broadcast_in_dim3A_360, %min3A_23 : vector<64x1xi32>
    %select_n3A_362 = arith.select %ge3A_361, %or3A_348, %select_n3A_343 : vector<64x1xi1>, vector<64x1xi32>
    %shift_left3A_363 = arith.constant 1 : i32
    %shift_left3A_364 = arith.constant 13 : i32
    %shift_left3A_365 = arith.shli %shift_left3A_363, %shift_left3A_364 : i32
    %or3A_366 = vector.broadcast %shift_left3A_365 : i32 to vector<64x1xi32>
    %or3A_367 = arith.ori %select_n3A_362, %or3A_366 : vector<64x1xi32>
    %xor3A_368 = arith.constant -2147483648 : i32
    %xor3A_369 = vector.broadcast %xor3A_368 : i32 to vector<64x1xi32>
    %xor3A_370 = arith.xori %or3A_367, %xor3A_369 : vector<64x1xi32>
    %broadcast_in_dim3A_371 = vector.shape_cast %xor3A_370 : vector<64x1xi32> to vector<64x1x1xi32>
    %ge3A_372 = vector.broadcast %broadcast_in_dim3A_371 : vector<64x1x1xi32> to vector<64x64x128xi32>
    %ge3A_373 = arith.cmpi sge, %select_n3A, %ge3A_372 : vector<64x64x128xi32>
    %convert_element_type3A_374 = arith.extui %ge3A_373 : vector<64x64x128xi1> to vector<64x64x128xi32>
    %reduce_sum3A_375 = arith.constant dense<0> : vector<64x128xi32>
    %reduce_sum3A_376 = vector.multi_reduction <add>, %convert_element_type3A_374, %reduce_sum3A_375 [1] : vector<64x64x128xi32> to vector<64x128xi32>
    %reduce_sum3A_377 = arith.constant dense<0> : vector<64xi32>
    %reduce_sum3A_378 = vector.multi_reduction <add>, %reduce_sum3A_376, %reduce_sum3A_377 [1] : vector<64x128xi32> to vector<64xi32>
    %broadcast_in_dim3A_379 = vector.shape_cast %reduce_sum3A_378 : vector<64xi32> to vector<64x1xi32>
    %ge3A_380 = arith.cmpi sge, %broadcast_in_dim3A_379, %min3A_23 : vector<64x1xi32>
    %select_n3A_381 = arith.select %ge3A_380, %or3A_367, %select_n3A_362 : vector<64x1xi1>, vector<64x1xi32>
    %shift_left3A_382 = arith.constant 1 : i32
    %shift_left3A_383 = arith.constant 12 : i32
    %shift_left3A_384 = arith.shli %shift_left3A_382, %shift_left3A_383 : i32
    %or3A_385 = vector.broadcast %shift_left3A_384 : i32 to vector<64x1xi32>
    %or3A_386 = arith.ori %select_n3A_381, %or3A_385 : vector<64x1xi32>
    %xor3A_387 = arith.constant -2147483648 : i32
    %xor3A_388 = vector.broadcast %xor3A_387 : i32 to vector<64x1xi32>
    %xor3A_389 = arith.xori %or3A_386, %xor3A_388 : vector<64x1xi32>
    %broadcast_in_dim3A_390 = vector.shape_cast %xor3A_389 : vector<64x1xi32> to vector<64x1x1xi32>
    %ge3A_391 = vector.broadcast %broadcast_in_dim3A_390 : vector<64x1x1xi32> to vector<64x64x128xi32>
    %ge3A_392 = arith.cmpi sge, %select_n3A, %ge3A_391 : vector<64x64x128xi32>
    %convert_element_type3A_393 = arith.extui %ge3A_392 : vector<64x64x128xi1> to vector<64x64x128xi32>
    %reduce_sum3A_394 = arith.constant dense<0> : vector<64x128xi32>
    %reduce_sum3A_395 = vector.multi_reduction <add>, %convert_element_type3A_393, %reduce_sum3A_394 [1] : vector<64x64x128xi32> to vector<64x128xi32>
    %reduce_sum3A_396 = arith.constant dense<0> : vector<64xi32>
    %reduce_sum3A_397 = vector.multi_reduction <add>, %reduce_sum3A_395, %reduce_sum3A_396 [1] : vector<64x128xi32> to vector<64xi32>
    %broadcast_in_dim3A_398 = vector.shape_cast %reduce_sum3A_397 : vector<64xi32> to vector<64x1xi32>
    %ge3A_399 = arith.cmpi sge, %broadcast_in_dim3A_398, %min3A_23 : vector<64x1xi32>
    %select_n3A_400 = arith.select %ge3A_399, %or3A_386, %select_n3A_381 : vector<64x1xi1>, vector<64x1xi32>
    %shift_left3A_401 = arith.constant 1 : i32
    %shift_left3A_402 = arith.constant 11 : i32
    %shift_left3A_403 = arith.shli %shift_left3A_401, %shift_left3A_402 : i32
    %or3A_404 = vector.broadcast %shift_left3A_403 : i32 to vector<64x1xi32>
    %or3A_405 = arith.ori %select_n3A_400, %or3A_404 : vector<64x1xi32>
    %xor3A_406 = arith.constant -2147483648 : i32
    %xor3A_407 = vector.broadcast %xor3A_406 : i32 to vector<64x1xi32>
    %xor3A_408 = arith.xori %or3A_405, %xor3A_407 : vector<64x1xi32>
    %broadcast_in_dim3A_409 = vector.shape_cast %xor3A_408 : vector<64x1xi32> to vector<64x1x1xi32>
    %ge3A_410 = vector.broadcast %broadcast_in_dim3A_409 : vector<64x1x1xi32> to vector<64x64x128xi32>
    %ge3A_411 = arith.cmpi sge, %select_n3A, %ge3A_410 : vector<64x64x128xi32>
    %convert_element_type3A_412 = arith.extui %ge3A_411 : vector<64x64x128xi1> to vector<64x64x128xi32>
    %reduce_sum3A_413 = arith.constant dense<0> : vector<64x128xi32>
    %reduce_sum3A_414 = vector.multi_reduction <add>, %convert_element_type3A_412, %reduce_sum3A_413 [1] : vector<64x64x128xi32> to vector<64x128xi32>
    %reduce_sum3A_415 = arith.constant dense<0> : vector<64xi32>
    %reduce_sum3A_416 = vector.multi_reduction <add>, %reduce_sum3A_414, %reduce_sum3A_415 [1] : vector<64x128xi32> to vector<64xi32>
    %broadcast_in_dim3A_417 = vector.shape_cast %reduce_sum3A_416 : vector<64xi32> to vector<64x1xi32>
    %ge3A_418 = arith.cmpi sge, %broadcast_in_dim3A_417, %min3A_23 : vector<64x1xi32>
    %select_n3A_419 = arith.select %ge3A_418, %or3A_405, %select_n3A_400 : vector<64x1xi1>, vector<64x1xi32>
    %shift_left3A_420 = arith.constant 1 : i32
    %shift_left3A_421 = arith.constant 10 : i32
    %shift_left3A_422 = arith.shli %shift_left3A_420, %shift_left3A_421 : i32
    %or3A_423 = vector.broadcast %shift_left3A_422 : i32 to vector<64x1xi32>
    %or3A_424 = arith.ori %select_n3A_419, %or3A_423 : vector<64x1xi32>
    %xor3A_425 = arith.constant -2147483648 : i32
    %xor3A_426 = vector.broadcast %xor3A_425 : i32 to vector<64x1xi32>
    %xor3A_427 = arith.xori %or3A_424, %xor3A_426 : vector<64x1xi32>
    %broadcast_in_dim3A_428 = vector.shape_cast %xor3A_427 : vector<64x1xi32> to vector<64x1x1xi32>
    %ge3A_429 = vector.broadcast %broadcast_in_dim3A_428 : vector<64x1x1xi32> to vector<64x64x128xi32>
    %ge3A_430 = arith.cmpi sge, %select_n3A, %ge3A_429 : vector<64x64x128xi32>
    %convert_element_type3A_431 = arith.extui %ge3A_430 : vector<64x64x128xi1> to vector<64x64x128xi32>
    %reduce_sum3A_432 = arith.constant dense<0> : vector<64x128xi32>
    %reduce_sum3A_433 = vector.multi_reduction <add>, %convert_element_type3A_431, %reduce_sum3A_432 [1] : vector<64x64x128xi32> to vector<64x128xi32>
    %reduce_sum3A_434 = arith.constant dense<0> : vector<64xi32>
    %reduce_sum3A_435 = vector.multi_reduction <add>, %reduce_sum3A_433, %reduce_sum3A_434 [1] : vector<64x128xi32> to vector<64xi32>
    %broadcast_in_dim3A_436 = vector.shape_cast %reduce_sum3A_435 : vector<64xi32> to vector<64x1xi32>
    %ge3A_437 = arith.cmpi sge, %broadcast_in_dim3A_436, %min3A_23 : vector<64x1xi32>
    %select_n3A_438 = arith.select %ge3A_437, %or3A_424, %select_n3A_419 : vector<64x1xi1>, vector<64x1xi32>
    %shift_left3A_439 = arith.constant 1 : i32
    %shift_left3A_440 = arith.constant 9 : i32
    %shift_left3A_441 = arith.shli %shift_left3A_439, %shift_left3A_440 : i32
    %or3A_442 = vector.broadcast %shift_left3A_441 : i32 to vector<64x1xi32>
    %or3A_443 = arith.ori %select_n3A_438, %or3A_442 : vector<64x1xi32>
    %xor3A_444 = arith.constant -2147483648 : i32
    %xor3A_445 = vector.broadcast %xor3A_444 : i32 to vector<64x1xi32>
    %xor3A_446 = arith.xori %or3A_443, %xor3A_445 : vector<64x1xi32>
    %broadcast_in_dim3A_447 = vector.shape_cast %xor3A_446 : vector<64x1xi32> to vector<64x1x1xi32>
    %ge3A_448 = vector.broadcast %broadcast_in_dim3A_447 : vector<64x1x1xi32> to vector<64x64x128xi32>
    %ge3A_449 = arith.cmpi sge, %select_n3A, %ge3A_448 : vector<64x64x128xi32>
    %convert_element_type3A_450 = arith.extui %ge3A_449 : vector<64x64x128xi1> to vector<64x64x128xi32>
    %reduce_sum3A_451 = arith.constant dense<0> : vector<64x128xi32>
    %reduce_sum3A_452 = vector.multi_reduction <add>, %convert_element_type3A_450, %reduce_sum3A_451 [1] : vector<64x64x128xi32> to vector<64x128xi32>
    %reduce_sum3A_453 = arith.constant dense<0> : vector<64xi32>
    %reduce_sum3A_454 = vector.multi_reduction <add>, %reduce_sum3A_452, %reduce_sum3A_453 [1] : vector<64x128xi32> to vector<64xi32>
    %broadcast_in_dim3A_455 = vector.shape_cast %reduce_sum3A_454 : vector<64xi32> to vector<64x1xi32>
    %ge3A_456 = arith.cmpi sge, %broadcast_in_dim3A_455, %min3A_23 : vector<64x1xi32>
    %select_n3A_457 = arith.select %ge3A_456, %or3A_443, %select_n3A_438 : vector<64x1xi1>, vector<64x1xi32>
    %shift_left3A_458 = arith.constant 1 : i32
    %shift_left3A_459 = arith.constant 8 : i32
    %shift_left3A_460 = arith.shli %shift_left3A_458, %shift_left3A_459 : i32
    %or3A_461 = vector.broadcast %shift_left3A_460 : i32 to vector<64x1xi32>
    %or3A_462 = arith.ori %select_n3A_457, %or3A_461 : vector<64x1xi32>
    %xor3A_463 = arith.constant -2147483648 : i32
    %xor3A_464 = vector.broadcast %xor3A_463 : i32 to vector<64x1xi32>
    %xor3A_465 = arith.xori %or3A_462, %xor3A_464 : vector<64x1xi32>
    %broadcast_in_dim3A_466 = vector.shape_cast %xor3A_465 : vector<64x1xi32> to vector<64x1x1xi32>
    %ge3A_467 = vector.broadcast %broadcast_in_dim3A_466 : vector<64x1x1xi32> to vector<64x64x128xi32>
    %ge3A_468 = arith.cmpi sge, %select_n3A, %ge3A_467 : vector<64x64x128xi32>
    %convert_element_type3A_469 = arith.extui %ge3A_468 : vector<64x64x128xi1> to vector<64x64x128xi32>
    %reduce_sum3A_470 = arith.constant dense<0> : vector<64x128xi32>
    %reduce_sum3A_471 = vector.multi_reduction <add>, %convert_element_type3A_469, %reduce_sum3A_470 [1] : vector<64x64x128xi32> to vector<64x128xi32>
    %reduce_sum3A_472 = arith.constant dense<0> : vector<64xi32>
    %reduce_sum3A_473 = vector.multi_reduction <add>, %reduce_sum3A_471, %reduce_sum3A_472 [1] : vector<64x128xi32> to vector<64xi32>
    %broadcast_in_dim3A_474 = vector.shape_cast %reduce_sum3A_473 : vector<64xi32> to vector<64x1xi32>
    %ge3A_475 = arith.cmpi sge, %broadcast_in_dim3A_474, %min3A_23 : vector<64x1xi32>
    %select_n3A_476 = arith.select %ge3A_475, %or3A_462, %select_n3A_457 : vector<64x1xi1>, vector<64x1xi32>
    %shift_left3A_477 = arith.constant 1 : i32
    %shift_left3A_478 = arith.constant 7 : i32
    %shift_left3A_479 = arith.shli %shift_left3A_477, %shift_left3A_478 : i32
    %or3A_480 = vector.broadcast %shift_left3A_479 : i32 to vector<64x1xi32>
    %or3A_481 = arith.ori %select_n3A_476, %or3A_480 : vector<64x1xi32>
    %xor3A_482 = arith.constant -2147483648 : i32
    %xor3A_483 = vector.broadcast %xor3A_482 : i32 to vector<64x1xi32>
    %xor3A_484 = arith.xori %or3A_481, %xor3A_483 : vector<64x1xi32>
    %broadcast_in_dim3A_485 = vector.shape_cast %xor3A_484 : vector<64x1xi32> to vector<64x1x1xi32>
    %ge3A_486 = vector.broadcast %broadcast_in_dim3A_485 : vector<64x1x1xi32> to vector<64x64x128xi32>
    %ge3A_487 = arith.cmpi sge, %select_n3A, %ge3A_486 : vector<64x64x128xi32>
    %convert_element_type3A_488 = arith.extui %ge3A_487 : vector<64x64x128xi1> to vector<64x64x128xi32>
    %reduce_sum3A_489 = arith.constant dense<0> : vector<64x128xi32>
    %reduce_sum3A_490 = vector.multi_reduction <add>, %convert_element_type3A_488, %reduce_sum3A_489 [1] : vector<64x64x128xi32> to vector<64x128xi32>
    %reduce_sum3A_491 = arith.constant dense<0> : vector<64xi32>
    %reduce_sum3A_492 = vector.multi_reduction <add>, %reduce_sum3A_490, %reduce_sum3A_491 [1] : vector<64x128xi32> to vector<64xi32>
    %broadcast_in_dim3A_493 = vector.shape_cast %reduce_sum3A_492 : vector<64xi32> to vector<64x1xi32>
    %ge3A_494 = arith.cmpi sge, %broadcast_in_dim3A_493, %min3A_23 : vector<64x1xi32>
    %select_n3A_495 = arith.select %ge3A_494, %or3A_481, %select_n3A_476 : vector<64x1xi1>, vector<64x1xi32>
    %shift_left3A_496 = arith.constant 1 : i32
    %shift_left3A_497 = arith.constant 6 : i32
    %shift_left3A_498 = arith.shli %shift_left3A_496, %shift_left3A_497 : i32
    %or3A_499 = vector.broadcast %shift_left3A_498 : i32 to vector<64x1xi32>
    %or3A_500 = arith.ori %select_n3A_495, %or3A_499 : vector<64x1xi32>
    %xor3A_501 = arith.constant -2147483648 : i32
    %xor3A_502 = vector.broadcast %xor3A_501 : i32 to vector<64x1xi32>
    %xor3A_503 = arith.xori %or3A_500, %xor3A_502 : vector<64x1xi32>
    %broadcast_in_dim3A_504 = vector.shape_cast %xor3A_503 : vector<64x1xi32> to vector<64x1x1xi32>
    %ge3A_505 = vector.broadcast %broadcast_in_dim3A_504 : vector<64x1x1xi32> to vector<64x64x128xi32>
    %ge3A_506 = arith.cmpi sge, %select_n3A, %ge3A_505 : vector<64x64x128xi32>
    %convert_element_type3A_507 = arith.extui %ge3A_506 : vector<64x64x128xi1> to vector<64x64x128xi32>
    %reduce_sum3A_508 = arith.constant dense<0> : vector<64x128xi32>
    %reduce_sum3A_509 = vector.multi_reduction <add>, %convert_element_type3A_507, %reduce_sum3A_508 [1] : vector<64x64x128xi32> to vector<64x128xi32>
    %reduce_sum3A_510 = arith.constant dense<0> : vector<64xi32>
    %reduce_sum3A_511 = vector.multi_reduction <add>, %reduce_sum3A_509, %reduce_sum3A_510 [1] : vector<64x128xi32> to vector<64xi32>
    %broadcast_in_dim3A_512 = vector.shape_cast %reduce_sum3A_511 : vector<64xi32> to vector<64x1xi32>
    %ge3A_513 = arith.cmpi sge, %broadcast_in_dim3A_512, %min3A_23 : vector<64x1xi32>
    %select_n3A_514 = arith.select %ge3A_513, %or3A_500, %select_n3A_495 : vector<64x1xi1>, vector<64x1xi32>
    %shift_left3A_515 = arith.constant 1 : i32
    %shift_left3A_516 = arith.constant 5 : i32
    %shift_left3A_517 = arith.shli %shift_left3A_515, %shift_left3A_516 : i32
    %or3A_518 = vector.broadcast %shift_left3A_517 : i32 to vector<64x1xi32>
    %or3A_519 = arith.ori %select_n3A_514, %or3A_518 : vector<64x1xi32>
    %xor3A_520 = arith.constant -2147483648 : i32
    %xor3A_521 = vector.broadcast %xor3A_520 : i32 to vector<64x1xi32>
    %xor3A_522 = arith.xori %or3A_519, %xor3A_521 : vector<64x1xi32>
    %broadcast_in_dim3A_523 = vector.shape_cast %xor3A_522 : vector<64x1xi32> to vector<64x1x1xi32>
    %ge3A_524 = vector.broadcast %broadcast_in_dim3A_523 : vector<64x1x1xi32> to vector<64x64x128xi32>
    %ge3A_525 = arith.cmpi sge, %select_n3A, %ge3A_524 : vector<64x64x128xi32>
    %convert_element_type3A_526 = arith.extui %ge3A_525 : vector<64x64x128xi1> to vector<64x64x128xi32>
    %reduce_sum3A_527 = arith.constant dense<0> : vector<64x128xi32>
    %reduce_sum3A_528 = vector.multi_reduction <add>, %convert_element_type3A_526, %reduce_sum3A_527 [1] : vector<64x64x128xi32> to vector<64x128xi32>
    %reduce_sum3A_529 = arith.constant dense<0> : vector<64xi32>
    %reduce_sum3A_530 = vector.multi_reduction <add>, %reduce_sum3A_528, %reduce_sum3A_529 [1] : vector<64x128xi32> to vector<64xi32>
    %broadcast_in_dim3A_531 = vector.shape_cast %reduce_sum3A_530 : vector<64xi32> to vector<64x1xi32>
    %ge3A_532 = arith.cmpi sge, %broadcast_in_dim3A_531, %min3A_23 : vector<64x1xi32>
    %select_n3A_533 = arith.select %ge3A_532, %or3A_519, %select_n3A_514 : vector<64x1xi1>, vector<64x1xi32>
    %shift_left3A_534 = arith.constant 1 : i32
    %shift_left3A_535 = arith.constant 4 : i32
    %shift_left3A_536 = arith.shli %shift_left3A_534, %shift_left3A_535 : i32
    %or3A_537 = vector.broadcast %shift_left3A_536 : i32 to vector<64x1xi32>
    %or3A_538 = arith.ori %select_n3A_533, %or3A_537 : vector<64x1xi32>
    %xor3A_539 = arith.constant -2147483648 : i32
    %xor3A_540 = vector.broadcast %xor3A_539 : i32 to vector<64x1xi32>
    %xor3A_541 = arith.xori %or3A_538, %xor3A_540 : vector<64x1xi32>
    %broadcast_in_dim3A_542 = vector.shape_cast %xor3A_541 : vector<64x1xi32> to vector<64x1x1xi32>
    %ge3A_543 = vector.broadcast %broadcast_in_dim3A_542 : vector<64x1x1xi32> to vector<64x64x128xi32>
    %ge3A_544 = arith.cmpi sge, %select_n3A, %ge3A_543 : vector<64x64x128xi32>
    %convert_element_type3A_545 = arith.extui %ge3A_544 : vector<64x64x128xi1> to vector<64x64x128xi32>
    %reduce_sum3A_546 = arith.constant dense<0> : vector<64x128xi32>
    %reduce_sum3A_547 = vector.multi_reduction <add>, %convert_element_type3A_545, %reduce_sum3A_546 [1] : vector<64x64x128xi32> to vector<64x128xi32>
    %reduce_sum3A_548 = arith.constant dense<0> : vector<64xi32>
    %reduce_sum3A_549 = vector.multi_reduction <add>, %reduce_sum3A_547, %reduce_sum3A_548 [1] : vector<64x128xi32> to vector<64xi32>
    %broadcast_in_dim3A_550 = vector.shape_cast %reduce_sum3A_549 : vector<64xi32> to vector<64x1xi32>
    %ge3A_551 = arith.cmpi sge, %broadcast_in_dim3A_550, %min3A_23 : vector<64x1xi32>
    %select_n3A_552 = arith.select %ge3A_551, %or3A_538, %select_n3A_533 : vector<64x1xi1>, vector<64x1xi32>
    %shift_left3A_553 = arith.constant 1 : i32
    %shift_left3A_554 = arith.constant 3 : i32
    %shift_left3A_555 = arith.shli %shift_left3A_553, %shift_left3A_554 : i32
    %or3A_556 = vector.broadcast %shift_left3A_555 : i32 to vector<64x1xi32>
    %or3A_557 = arith.ori %select_n3A_552, %or3A_556 : vector<64x1xi32>
    %xor3A_558 = arith.constant -2147483648 : i32
    %xor3A_559 = vector.broadcast %xor3A_558 : i32 to vector<64x1xi32>
    %xor3A_560 = arith.xori %or3A_557, %xor3A_559 : vector<64x1xi32>
    %broadcast_in_dim3A_561 = vector.shape_cast %xor3A_560 : vector<64x1xi32> to vector<64x1x1xi32>
    %ge3A_562 = vector.broadcast %broadcast_in_dim3A_561 : vector<64x1x1xi32> to vector<64x64x128xi32>
    %ge3A_563 = arith.cmpi sge, %select_n3A, %ge3A_562 : vector<64x64x128xi32>
    %convert_element_type3A_564 = arith.extui %ge3A_563 : vector<64x64x128xi1> to vector<64x64x128xi32>
    %reduce_sum3A_565 = arith.constant dense<0> : vector<64x128xi32>
    %reduce_sum3A_566 = vector.multi_reduction <add>, %convert_element_type3A_564, %reduce_sum3A_565 [1] : vector<64x64x128xi32> to vector<64x128xi32>
    %reduce_sum3A_567 = arith.constant dense<0> : vector<64xi32>
    %reduce_sum3A_568 = vector.multi_reduction <add>, %reduce_sum3A_566, %reduce_sum3A_567 [1] : vector<64x128xi32> to vector<64xi32>
    %broadcast_in_dim3A_569 = vector.shape_cast %reduce_sum3A_568 : vector<64xi32> to vector<64x1xi32>
    %ge3A_570 = arith.cmpi sge, %broadcast_in_dim3A_569, %min3A_23 : vector<64x1xi32>
    %select_n3A_571 = arith.select %ge3A_570, %or3A_557, %select_n3A_552 : vector<64x1xi1>, vector<64x1xi32>
    %shift_left3A_572 = arith.constant 1 : i32
    %shift_left3A_573 = arith.constant 2 : i32
    %shift_left3A_574 = arith.shli %shift_left3A_572, %shift_left3A_573 : i32
    %or3A_575 = vector.broadcast %shift_left3A_574 : i32 to vector<64x1xi32>
    %or3A_576 = arith.ori %select_n3A_571, %or3A_575 : vector<64x1xi32>
    %xor3A_577 = arith.constant -2147483648 : i32
    %xor3A_578 = vector.broadcast %xor3A_577 : i32 to vector<64x1xi32>
    %xor3A_579 = arith.xori %or3A_576, %xor3A_578 : vector<64x1xi32>
    %broadcast_in_dim3A_580 = vector.shape_cast %xor3A_579 : vector<64x1xi32> to vector<64x1x1xi32>
    %ge3A_581 = vector.broadcast %broadcast_in_dim3A_580 : vector<64x1x1xi32> to vector<64x64x128xi32>
    %ge3A_582 = arith.cmpi sge, %select_n3A, %ge3A_581 : vector<64x64x128xi32>
    %convert_element_type3A_583 = arith.extui %ge3A_582 : vector<64x64x128xi1> to vector<64x64x128xi32>
    %reduce_sum3A_584 = arith.constant dense<0> : vector<64x128xi32>
    %reduce_sum3A_585 = vector.multi_reduction <add>, %convert_element_type3A_583, %reduce_sum3A_584 [1] : vector<64x64x128xi32> to vector<64x128xi32>
    %reduce_sum3A_586 = arith.constant dense<0> : vector<64xi32>
    %reduce_sum3A_587 = vector.multi_reduction <add>, %reduce_sum3A_585, %reduce_sum3A_586 [1] : vector<64x128xi32> to vector<64xi32>
    %broadcast_in_dim3A_588 = vector.shape_cast %reduce_sum3A_587 : vector<64xi32> to vector<64x1xi32>
    %ge3A_589 = arith.cmpi sge, %broadcast_in_dim3A_588, %min3A_23 : vector<64x1xi32>
    %select_n3A_590 = arith.select %ge3A_589, %or3A_576, %select_n3A_571 : vector<64x1xi1>, vector<64x1xi32>
    %shift_left3A_591 = arith.constant 1 : i32
    %shift_left3A_592 = arith.constant 1 : i32
    %shift_left3A_593 = arith.shli %shift_left3A_591, %shift_left3A_592 : i32
    %or3A_594 = vector.broadcast %shift_left3A_593 : i32 to vector<64x1xi32>
    %or3A_595 = arith.ori %select_n3A_590, %or3A_594 : vector<64x1xi32>
    %xor3A_596 = arith.constant -2147483648 : i32
    %xor3A_597 = vector.broadcast %xor3A_596 : i32 to vector<64x1xi32>
    %xor3A_598 = arith.xori %or3A_595, %xor3A_597 : vector<64x1xi32>
    %broadcast_in_dim3A_599 = vector.shape_cast %xor3A_598 : vector<64x1xi32> to vector<64x1x1xi32>
    %ge3A_600 = vector.broadcast %broadcast_in_dim3A_599 : vector<64x1x1xi32> to vector<64x64x128xi32>
    %ge3A_601 = arith.cmpi sge, %select_n3A, %ge3A_600 : vector<64x64x128xi32>
    %convert_element_type3A_602 = arith.extui %ge3A_601 : vector<64x64x128xi1> to vector<64x64x128xi32>
    %reduce_sum3A_603 = arith.constant dense<0> : vector<64x128xi32>
    %reduce_sum3A_604 = vector.multi_reduction <add>, %convert_element_type3A_602, %reduce_sum3A_603 [1] : vector<64x64x128xi32> to vector<64x128xi32>
    %reduce_sum3A_605 = arith.constant dense<0> : vector<64xi32>
    %reduce_sum3A_606 = vector.multi_reduction <add>, %reduce_sum3A_604, %reduce_sum3A_605 [1] : vector<64x128xi32> to vector<64xi32>
    %broadcast_in_dim3A_607 = vector.shape_cast %reduce_sum3A_606 : vector<64xi32> to vector<64x1xi32>
    %ge3A_608 = arith.cmpi sge, %broadcast_in_dim3A_607, %min3A_23 : vector<64x1xi32>
    %select_n3A_609 = arith.select %ge3A_608, %or3A_595, %select_n3A_590 : vector<64x1xi1>, vector<64x1xi32>
    %shift_left3A_610 = arith.constant 1 : i32
    %shift_left3A_611 = arith.constant 0 : i32
    %shift_left3A_612 = arith.shli %shift_left3A_610, %shift_left3A_611 : i32
    %or3A_613 = vector.broadcast %shift_left3A_612 : i32 to vector<64x1xi32>
    %or3A_614 = arith.ori %select_n3A_609, %or3A_613 : vector<64x1xi32>
    %xor3A_615 = arith.constant -2147483648 : i32
    %xor3A_616 = vector.broadcast %xor3A_615 : i32 to vector<64x1xi32>
    %xor3A_617 = arith.xori %or3A_614, %xor3A_616 : vector<64x1xi32>
    %broadcast_in_dim3A_618 = vector.shape_cast %xor3A_617 : vector<64x1xi32> to vector<64x1x1xi32>
    %ge3A_619 = vector.broadcast %broadcast_in_dim3A_618 : vector<64x1x1xi32> to vector<64x64x128xi32>
    %ge3A_620 = arith.cmpi sge, %select_n3A, %ge3A_619 : vector<64x64x128xi32>
    %convert_element_type3A_621 = arith.extui %ge3A_620 : vector<64x64x128xi1> to vector<64x64x128xi32>
    %reduce_sum3A_622 = arith.constant dense<0> : vector<64x128xi32>
    %reduce_sum3A_623 = vector.multi_reduction <add>, %convert_element_type3A_621, %reduce_sum3A_622 [1] : vector<64x64x128xi32> to vector<64x128xi32>
    %reduce_sum3A_624 = arith.constant dense<0> : vector<64xi32>
    %reduce_sum3A_625 = vector.multi_reduction <add>, %reduce_sum3A_623, %reduce_sum3A_624 [1] : vector<64x128xi32> to vector<64xi32>
    %broadcast_in_dim3A_626 = vector.shape_cast %reduce_sum3A_625 : vector<64xi32> to vector<64x1xi32>
    %ge3A_627 = arith.cmpi sge, %broadcast_in_dim3A_626, %min3A_23 : vector<64x1xi32>
    %select_n3A_628 = arith.select %ge3A_627, %or3A_614, %select_n3A_609 : vector<64x1xi1>, vector<64x1xi32>
    %xor3A_629 = arith.constant -2147483648 : i32
    %xor3A_630 = vector.broadcast %xor3A_629 : i32 to vector<64x1xi32>
    %xor3A_631 = arith.xori %select_n3A_628, %xor3A_630 : vector<64x1xi32>
    %broadcast_in_dim3A_632 = vector.shape_cast %xor3A_631 : vector<64x1xi32> to vector<64x1x1xi32>
    %gt3A = vector.broadcast %broadcast_in_dim3A_632 : vector<64x1x1xi32> to vector<64x64x128xi32>
    %gt3A_633 = arith.cmpi sgt, %select_n3A, %gt3A : vector<64x64x128xi32>
    %convert_element_type3A_634 = arith.extui %gt3A_633 : vector<64x64x128xi1> to vector<64x64x128xi32>
    %reduce_sum3A_635 = arith.constant dense<0> : vector<64x128xi32>
    %reduce_sum3A_636 = vector.multi_reduction <add>, %convert_element_type3A_634, %reduce_sum3A_635 [1] : vector<64x64x128xi32> to vector<64x128xi32>
    %reduce_sum3A_637 = arith.constant dense<0> : vector<64xi32>
    %reduce_sum3A_638 = vector.multi_reduction <add>, %reduce_sum3A_636, %reduce_sum3A_637 [1] : vector<64x128xi32> to vector<64xi32>
    %broadcast_in_dim3A_639 = vector.shape_cast %reduce_sum3A_638 : vector<64xi32> to vector<64x1xi32>
    %sub3A = arith.subi %min3A_23, %broadcast_in_dim3A_639 : vector<64x1xi32>
    %broadcast_in_dim3A_640 = arith.constant 1 : i32
    %broadcast_in_dim3A_641 = vector.broadcast %broadcast_in_dim3A_640 : i32 to vector<1x16xi32>
    %mul3A_642 = vector.broadcast %xor3A_631 : vector<64x1xi32> to vector<64x16xi32>
    %mul3A_643 = vector.broadcast %broadcast_in_dim3A_641 : vector<1x16xi32> to vector<64x16xi32>
    %mul3A_644 = arith.muli %mul3A_642, %mul3A_643 : vector<64x16xi32>
    %swap3A = arith.constant 0 : index
    %swap3A_645 = arith.constant 0 : index
    %swap3A_646 = vector.load %arg2[%swap3A, %swap3A_645] : memref<64x48xi32, #tpu.memory_space<vmem>>, vector<64x16xi32>
    tpu.vector_store %arg2[%swap3A, %swap3A_645], %mul3A_644 {strides = array<i32>} : memref<64x48xi32, #tpu.memory_space<vmem>>, vector<64x16xi32>,
    %mul3A_647 = vector.broadcast %sub3A : vector<64x1xi32> to vector<64x16xi32>
    %mul3A_648 = vector.broadcast %broadcast_in_dim3A_641 : vector<1x16xi32> to vector<64x16xi32>
    %mul3A_649 = arith.muli %mul3A_647, %mul3A_648 : vector<64x16xi32>
    %swap3A_650 = arith.constant 0 : index
    %swap3A_651 = arith.constant 16 : index
    %swap3A_652 = vector.load %arg2[%swap3A_650, %swap3A_651] : memref<64x48xi32, #tpu.memory_space<vmem>>, vector<64x16xi32>
    tpu.vector_store %arg2[%swap3A_650, %swap3A_651], %mul3A_649 {strides = array<i32>} : memref<64x48xi32, #tpu.memory_space<vmem>>, vector<64x16xi32>,
    %mul3A_653 = vector.broadcast %get3A_9 : vector<64x1xi32> to vector<64x16xi32>
    %mul3A_654 = vector.broadcast %broadcast_in_dim3A_641 : vector<1x16xi32> to vector<64x16xi32>
    %mul3A_655 = arith.muli %mul3A_653, %mul3A_654 : vector<64x16xi32>
    %swap3A_656 = arith.constant 0 : index
    %swap3A_657 = arith.constant 32 : index
    %swap3A_658 = vector.load %arg2[%swap3A_656, %swap3A_657] : memref<64x48xi32, #tpu.memory_space<vmem>>, vector<64x16xi32>
    tpu.vector_store %arg2[%swap3A_656, %swap3A_657], %mul3A_655 {strides = array<i32>} : memref<64x48xi32, #tpu.memory_space<vmem>>, vector<64x16xi32>,
    %convert_element_type3A_659 = arith.sitofp %min3A_23 : vector<64x1xi32> to vector<64x1xf32>
    %broadcast_in_dim3A_660 = arith.constant 1.000000e+00 : f32
    %broadcast_in_dim3A_661 = vector.broadcast %broadcast_in_dim3A_660 : f32 to vector<1x16xf32>
    %mul3A_662 = vector.broadcast %convert_element_type3A_659 : vector<64x1xf32> to vector<64x16xf32>
    %mul3A_663 = vector.broadcast %broadcast_in_dim3A_661 : vector<1x16xf32> to vector<64x16xf32>
    %mul3A_664 = arith.mulf %mul3A_662, %mul3A_663 : vector<64x16xf32>
    %swap3A_665 = arith.constant 0 : index
    %swap3A_666 = arith.constant 0 : index
    %swap3A_667 = vector.load %arg3[%swap3A_665, %swap3A_666] : memref<64x16xf32, #tpu.memory_space<vmem>>, vector<64x16xf32>
    tpu.vector_store %arg3[%swap3A_665, %swap3A_666], %mul3A_664 {strides = array<i32>} : memref<64x16xf32, #tpu.memory_space<vmem>>, vector<64x16xf32>,
    return
  }
}

</mosaic_0001>

<sc_bundles>
// kernel: kernel.5.cloned.1.call-start
scs
__scs_entry_jumppad:
0x0: {  	(pc) =	sbr.rel $0x88, $3  }
0x1: {  	(tag) =	ssettag $0x0;
	lr =	simm.s32 $0x1  }
0x2: {  	[smem:$0x3F9C] =	sst lr;
	_ =	strace $0xD0000000  }
0x3: {  	_ = 	snop  }
0x4: {  	_ = 	snop  }
0x5: {  	_ = 	snop  }
0x6: {  	_ = 	snop  }
0x7: {  	_ = 	snop  }
__scs_overlays_trampoline_lowered:
0x8: {  	[smem:$0x3FAB] =	sst s0  }
0x9: {  	[smem:$0x3FAC] =	sst s1  }
0xa: {  	[smem:$0x3FAD] =	sst s2  }
0xb: {  	[smem:$0x3FAE] =	sst s3  }
0xc: {  	[smem:$0x3FAF] =	sst s4  }
0xd: {  	[smem:$0x3FB0] =	sst s5  }
0xe: {  	[smem:$0x3FB1] =	sst s6  }
0xf: {  	[smem:$0x3FB2] =	sst s7  }
0x10: {  	[smem:$0x3FB3] =	sst s8  }
0x11: {  	[smem:$0x3FB4] =	sst s9;
	s0 =	simm.s32 @!p0 $0x0  }
0x12: {  	s1 =	sld [smem:$0x3F9A];
	s0 =	simm.s32 @p0 $0x1  }
0x13: {  	[smem:$0x3FB5] =	sst s0;
	s0 =	simm.s32 @!p1 $0x0  }
0x14: {  	s2 =	sld [smem:$0x3F99];
	s0 =	simm.s32 @p1 $0x1  }
0x15: {  	[smem:$0x3FB6] =	sst s0;
	s0 =	simm.s32 @!p2 $0x0  }
0x16: {  	s3 =	sld [smem:$0x3FDB];
	s0 =	simm.s32 @p2 $0x1  }
0x17: {  	s4 =	simm.s32 $0x1BF5;
	[smem:$0x3FB8] =	sst s0  }
0x18: {  	s0 =	sld [smem:$0x3F9B];
	_ =	swait.ge [sflag:s4], $0x0  }
0x19: {  	s7 =	sld [smem:$0x3F9C]  }
0x1a: {  	s8 =	sadd.s32 $0xFFFFE003, lr  }
0x1b: {  	s9 =	sadd.s32 $0xFFFFFEF7, lr;
	s5 =	simm.s32 $0xFFFFFFFF;
	p2 =	slt.u32 s8, $0xFFFFF086  }
0x1c: {  	p1 =	slt.u32 s9, $0xF7A;
	s5 =	simm.s32 @!p2 $0x0  }
0x1d: {  	s5 =	simm.s32 @p1 $0x1;
	p0 =	seq.s32 s7, s2  }
0x1e: {  	s7 =	smul.u32 @!p0 $0xF7A, s2;
	p2 =	seq.s32 @!p0 s5, $0x0  }
0x1f: {  	s9 =	smul.u32 $0xF7A, s1;
	s8 =	simm.s32 @!p0 $0x1BF5;
	p2 =	por !p2, p0  }
0x20: {  	[sflag:s8] =	ssyncset.s32 @!p0 $0xFFFFF086;
	s6 =	sadd.s32 @!p0 s3, s7;
	s7 =	simm.s32 @!p0 $0x108  }
0x21: {  	s3 =	sadd.s32 s3, s9;
	s6 =	sadd.s32 @!p0 $0x88, s6;
	s7 =	simm.s32 @p2 $0x1082  }
0x22: {  	[simem:s7], [sflag:s8] =	dma.local @!p0 [hbm:s6], $0xF7A  }
0x23: {  	s9 =	sor.u32 $0xD0000000, s2;
	s6 =	simm.s32 $0x108;
	_ =	swait.ge @!p0 [sflag:s8], $0x0  }
0x24: {  	s3 =	sadd.s32 $0x88, s3;
	s6 =	simm.s32 @!p1 $0x1082;
	[sflag:s4] =	ssyncset.s32 $0xFFFFF086  }
0x25: {  	[simem:s6], [sflag:s4] =	dma.local [hbm:s3], $0xF7A  }
0x26: {  	[smem:$0x3F9C] =	sst s1;
	(tag) =	ssettag s2;
	_ =	strace s9  }
0x27: {  	s1 =	sld [smem:$0x3FAC]  }
0x28: {  	s2 =	sld [smem:$0x3FAD]  }
0x29: {  	s4 =	sld [smem:$0x3FAF]  }
0x2a: {  	p0 =	seq.s32 s5, $0x0;
	s5 =	sld [smem:$0x3FB0]  }
0x2b: {  	s6 =	sld [smem:$0x3FB1]  }
0x2c: {  	s7 =	sld [smem:$0x3FB2]  }
0x2d: {  	s3 =	simm.s32 $0x108;
	s8 =	sld [smem:$0x3FB3]  }
0x2e: {  	s3 =	simm.s32 @!p0 $0x1082;
	s9 =	sld [smem:$0x3FB4]  }
0x2f: {  	lr =	sadd.s32 s0, s3;
	s0 =	sld [smem:$0x3FAB]  }
0x30: {  	s3 =	sld [smem:$0x3FAE]  }
0x31: {  	[smem:$0x3FB7] =	sst s10  }
0x32: {  	s10 =	sld [smem:$0x3FB5];
	_ =	sdelay $0x3  }
0x33: {  	p0 =	seq.s32 s10, $0x1;
	s10 =	sld [smem:$0x3FB7];
	_ =	sdelay $0x3  }
0x34: {  	[smem:$0x3FB7] =	sst s10  }
0x35: {  	s10 =	sld [smem:$0x3FB6];
	_ =	sdelay $0x3  }
0x36: {  	p1 =	seq.s32 s10, $0x1;
	s10 =	sld [smem:$0x3FB7];
	_ =	sdelay $0x3  }
0x37: {  	[smem:$0x3FB7] =	sst s10  }
0x38: {  	s10 =	sld [smem:$0x3FB8]  }
0x39: {  	_ = 	snop;
	(pc) =	sbr.ind lr, $3  }
0x3a: {  	_ = 	snop  }
0x3b: {  	_ = 	snop  }
0x3c: {  	p2 =	seq.s32 s10, $0x1;
	s10 =	sld [smem:$0x3FB7]  }
0x3d: {  	_ =	shalt  }
0x3e: {  	_ =	shalt  }
0x3f: {  	_ =	shalt  }
0x40: {  	_ =	shalt  }
0x41: {  	_ =	shalt  }
0x42: {  	_ =	shalt  }
0x43: {  	_ =	shalt  }
0x44: {  	_ =	shalt  }
0x45: {  	_ =	shalt  }
0x46: {  	_ =	shalt  }
0x47: {  	_ =	shalt  }
0x48: {  	_ =	shalt  }
0x49: {  	_ =	shalt  }
0x4a: {  	_ =	shalt  }
0x4b: {  	_ =	shalt  }
0x4c: {  	_ =	shalt  }
0x4d: {  	_ =	shalt  }
0x4e: {  	_ =	shalt  }
0x4f: {  	_ =	shalt  }
0x50: {  	_ =	shalt  }
0x51: {  	_ =	shalt  }
0x52: {  	_ =	shalt  }
0x53: {  	_ =	shalt  }
0x54: {  	_ =	shalt  }
0x55: {  	_ =	shalt  }
0x56: {  	_ =	shalt  }
0x57: {  	_ =	shalt  }
0x58: {  	_ =	shalt  }
0x59: {  	_ =	shalt  }
0x5a: {  	_ =	shalt  }
0x5b: {  	_ =	shalt  }
0x5c: {  	_ =	shalt  }
0x5d: {  	_ =	shalt  }
0x5e: {  	_ =	shalt  }
0x5f: {  	_ =	shalt  }
0x60: {  	_ =	shalt  }
0x61: {  	_ =	shalt  }
0x62: {  	_ =	shalt  }
0x63: {  	_ =	shalt  }
0x64: {  	_ =	shalt  }
0x65: {  	_ =	shalt  }
0x66: {  	_ =	shalt  }
0x67: {  	_ =	shalt  }
0x68: {  	_ =	shalt  }
0x69: {  	_ =	shalt  }
0x6a: {  	_ =	shalt  }
0x6b: {  	_ =	shalt  }
0x6c: {  	_ =	shalt  }
0x6d: {  	_ =	shalt  }
0x6e: {  	_ =	shalt  }
0x6f: {  	_ =	shalt  }
0x70: {  	_ =	shalt  }
0x71: {  	_ =	shalt  }
0x72: {  	_ =	shalt  }
0x73: {  	_ =	shalt  }
0x74: {  	_ =	shalt  }
0x75: {  	_ =	shalt  }
0x76: {  	_ =	shalt  }
0x77: {  	_ =	shalt  }
0x78: {  	_ =	shalt  }
0x79: {  	_ =	shalt  }
0x7a: {  	_ =	shalt  }
0x7b: {  	_ =	shalt  }
0x7c: {  	_ =	shalt  }
0x7d: {  	_ =	shalt  }
0x7e: {  	_ =	shalt  }
0x7f: {  	_ =	shalt  }
0x80: {  	_ =	shalt  }
0x81: {  	_ =	shalt  }
0x82: {  	_ =	shalt  }
0x83: {  	_ =	shalt  }
0x84: {  	_ =	shalt  }
0x85: {  	_ =	shalt  }
0x86: {  	_ =	shalt  }
0x87: {  	_ =	shalt  }
.Lfunc_end0:
.L_simem_size_0:
called_computation_lowered:
.L_overlay_start_0:
0x88: {  	s2 =	sld [smem:$0x3FD9]  }
0x89: {  	s3 =	sld [smem:$0x3FFE];
	_ =	sdelay $0x1  }
0x8a: {  	s1 =	srdreg.scid  }
0x8b: {  	s0 =	sand.u32 $0x1, s1  }
0x8c: {  	s17 =	sshll.u32 s0, $0xA;
	s2 =	sadd.s32 s3, s2  }
0x8d: {  	s2 =	sadd.s32 s2, s17  }
0x8e: {  	[smem:$0x3FC3] =	sst s2  }
0x8f: {  	_ = 	snop  }
0x90: {  	s2 =	sld [smem:$0x3FC9]  }
0x91: {  	s18 =	sld [smem:$0x3FD0];
	(tm) =	ssettm $0x1  }
0x92: {  	s4 =	sld [smem:$0x3FFB];
	_ =	sdelay $0x3  }
0x93: {  	_ =	strace s4  }
0x94: {  	s4 =	sld [smem:$0x3FFC];
	_ =	sdelay $0x3  }
0x95: {  	_ =	strace s4  }
0x96: {  	s4 =	sld [smem:$0x3FFD];
	_ =	sdelay $0x3  }
0x97: {  	_ =	strace s4  }
0x98: {  	_ =	strace $0x8FFFFFFF  }
0x99: {  	s19 =	sld [smem:$0x3FDB];
	_ =	sdelay $0x1  }
0x9a: {  	s5 =	simm.s32 $_scs_section_size  }
0x9b: {  	s6 =	simm.s32 $_size__tile_overlayer_lowered;
	s7 =	simm.s32 $_tile_overlayer_lowered  }
0x9c: {  	s22 =	simm.s32 $0x1BFF;
	s21 =	sshll.u32 s7, $0x1;
	s4 =	sadd.s32 s5, s19  }
0x9d: {  	s8 =	simm.s32 $0x0;
	s20 =	sshll.u32 s6, $0x1;
	s6 =	sadd.s32 s21, s4  }
0x9e: {  	[timem:s8], [sflag:s22] =	dma.local [hbm:s6], s20  }
0x9f: {  	_ =	swait.ge [sflag:s22], s20  }
0xa0: {  	s5 =	ssub.s32 $0x0, s20;
	[sflag:s22] =	ssyncset.done $0x0  }
0xa1: {  	[sflag:s22] =	ssyncadd.s32 s5;
	_ =	sdelay $0x1  }
0xa2: {  	s23 =	simm.s32 $0x1B8B  }
0xa3: {  	_ =	swait.ge [sflag:s23], $0x1  }
0xa4: {  	[sflag:s23] =	ssyncset.done $0x0  }
0xa5: {  	s25 =	simm.s32 $0x1B8E;
	s24 =	sld [smem:$0x3FFE];
	[sflag:s23] =	ssyncadd.s32 $0xFFFFFFFF  }
0xa6: {  	s26 =	simm.s32 $execute0_lowered;
	[smem:$0x3FD2] =	sst s25  }
0xa7: {  	s6 =	sshll.u32 s26, $0x1;
	_ =	strace $0x80000046;
	[dreg:$0x1] =	wrdreg $0xFFFFFFFF  }
0xa8: {  	s28 =	simm.s32 $_size_execute0_lowered;
	s4 =	sadd.s32 s4, s6;
	[dreg:$0x0] =	wrdreg $0x0  }
0xa9: {  	s6 =	sshll.u32 s28, $0x1;
	[dreg:$0x2] =	wrdreg s4  }
0xaa: {  	[dreg:$0x3] =	wrdreg s6  }
0xab: {  	[dreg:$0x4] =	wrdreg $0xC0  }
0xac: {  	_ =	task [dreg:s8], $0x5FFFF  }
0xad: {  	[dreg:$0x1] =	wrdreg $0xFFFFFFFF  }
0xae: {  	[dreg:$0x0] =	wrdreg $0x60  }
0xaf: {  	[dreg:$0x2] =	wrdreg s24  }
0xb0: {  	[dreg:$0x3] =	wrdreg s2  }
0xb1: {  	[dreg:$0x4] =	wrdreg s18  }
0xb2: {  	[dreg:$0x5] =	wrdreg $0x9  }
0xb3: {  	_ =	task.clear_ibuf [dreg:s8], $0x6FFFF;
	_ =	strace $0x90000046  }
0xb4: {  	s29 =	simm.s32 $0x9;
	_ =	strace $0x80000048  }
0xb5: {  	_ =	swait.ge [sflag:s29], $0x1  }
0xb6: {  	[sflag:s29] =	ssyncadd.s32 $0xFFFFFFFF  }
0xb7: {  	_ =	strace $0x90000048  }
0xb8: {  	_ =	sfence  }
0xb9: {  	s30 =	sld [smem:$0x0];
	_ =	sdelay $0x2  }
0xba: {  	s31 =	sshll.u32 s1, $0xD;
	s1 =	sshrl.u32 s1, $0x2  }
0xbb: {  	s3 =	sand.u32 $0x4000, s31;
	s1 =	sadd.s32 s1, s30  }
0xbc: {  	s0 =	sor.u32 s3, s0;
	s1 =	sshll.u32 s1, $0x11  }
0xbd: {  	s0 =	sor.u32 s1, s0  }
0xbe: {  	s0 =	sadd.s32 $0x8F2B, s0  }
0xbf: {  	[sflag:s0] =	ssyncadd.remote.s32 $0x1  }
0xc0: {  	_ =	sfence.sel $0xFFFF  }
0xc1: {  	[dreg:$0x0] =	wrdreg $0xFFFFFFFF;
	(pc) =	sbr.abs _section_cstart, $3  }
0xc2: {  	[dreg:$0x1] =	wrdreg $0xFFFFFFFF  }
0xc3: {  	_ =	task.clear_ibuf [dreg:s8], $0x2FFFF;
	_ =	strace $0x9FFFFFFF  }
0xc4: {  	(tm) =	ssettm $0x7FFFFFFF  }
0xc5: {  	_ =	shalt  }
tec
execute0_lowered:
.L_overlay_start_1:
0x0: {  	(tag) =	ssettag $0x1  }
0x1: {  	s4 =	rddreg [dreg:$0x0]  }
0x2: {  	s1 =	rddreg [dreg:$0x1]  }
0x3: {  	s11 =	rddreg [dreg:$0x2]  }
0x4: {  	s0 =	rddreg [dreg:$0x3];
	s2 =	simm.s32 $0x0  }
0x5: {  	s5 =	srdreg.scid;
	s3 =	stileid.u32;
	s20 =	simm.s32 $0x7180  }
0x6: {  	s21 =	simm.s32 $0x0;
	[smem:$0x7FF] =	sst s2;
	s8 =	sadd.s32 $0x1600, s4  }
0x7: {  	s9 =	sadd.s32 $0xE00, s4;
	s5 =	sand.u32 $0x1, s5;
	s6 =	sshll.u32 s3, $0x1  }
0x8: {  	s10 =	sadd.s32 $0x1200, s4;
	s26 =	sshrl.u32 s3, $0x2;
	_ =	strace $0x80000047  }
0x9: {  	s24 =	ssub.s32 $0x2, s5;
	s7 =	sor.u32 s5, s6;
	s13 =	sshll.u32 s26, $0x10  }
0xa: {  	s6 =	sshll.u32 s26, $0xA;
	s25 =	sshrl.u32 s24, $0x1;
	s12 =	sshll.u32 s7, $0x7  }
0xb: {  	v0 =	vlaneseq.u32;
	s15 =	sor.u32 $0x20, s7;
	s18 =	sshll.u32 s7, $0xD;
	s12 =	sand.u32 $0x380, s12  }
0xc: {  	v4 =	vor.u32 $0x80000000, v0;
	s14 =	ssub.s32 s24, s25;
	s16 =	sshrl.u32 s15, $0x3;
	s19 =	sshll.u32 s15, $0xD  }
0xd: {  	s15 =	simm.s32 $0x2;
	v1 =	vor.u32 s18, v0;
	v2 =	vor.u32 s18, v4;
	s18 =	simm.s32 $0x1;
	s28 =	sor.u32 s13, s12  }
0xe: {  	s29 =	sor.u32 s6, s12;
	s17 =	sshll.u32 s16, $0x10;
	s16 =	sshll.u32 s16, $0xA  }
0xf: {  	s13 =	simm.s32 $0x80;
	v3 =	vor.u32 s19, v0;
	v4 =	vor.u32 s19, v4;
	s19 =	simm.s32 $0x3080;
	s4 =	sshrl.u32 s28, $0x3  }
0x10: {  	s30 =	sshrl.u32 s29, $0x3;
	s17 =	sor.u32 s12, s17;
	s12 =	sor.u32 s12, s16  }
.Ltmp0:
0x11: {  	s16 =	simm.s32 $0x7080;
	s4 =	sadd.s32 s8, s4;
	(pc) =	sbr.rel .LBB2_1-.Ltmp0, $4  }
0x12: {  	s5 =	sadd.s32 s9, s30;
	s6 =	sadd.s32 s10, s30;
	s7 =	sadd.s32 s11, s30  }
0x13: {  	s31 =	sshrl.u32 s17, $0x3;
	s12 =	sshrl.u32 s12, $0x3;
	s17 =	simm.s32 $0x7100  }
0x14: {  	s8 =	sadd.s32 s8, s31;
	s9 =	sadd.s32 s9, s12;
	s10 =	sadd.s32 s10, s12  }
0x15: {  	v5 =	vimm.s32 $0x0;
	s11 =	sadd.s32 s11, s12;
	s12 =	smax.u32 s14, $0x1;
	s14 =	simm.s32 $0x400  }
.LBB2_13:
0x16: {  	v14 =	vld [tilespmem:$0x7100];
	_ =	sdelay $0x4  }
0x17: {  	(erf) = vrcp.f32 v14  }
0x18: {  	v55 =	vld [tilespmem:$0x7000]  }
0x19: {  	s23 =	sshll.u32 s23, $0x7;
	v15 =	vld [tilespmem:$0x7010]  }
0x1a: {  	v16 =	vld [tilespmem:$0x7020];
	s22 =	ssub.s32 s23, s22  }
0x1b: {  	v17 =	vld [tilespmem:$0x7030];
	s22 =	scvt.s32.f32 s22  }
0x1c: {  	v18 =	vld [tilespmem:$0x7040]  }
0x1d: {  	v19 =	vld [tilespmem:$0x7050];
	v14 =	vmul.f32 s22, v55  }
0x1e: {  	v20 =	vld [tilespmem:$0x7060];
	v15 =	vmul.f32 s22, v15  }
0x1f: {  	v57 =	vld [tilespmem:$0x7070];
	v56 =	vmul.f32 s22, v16;
	v13 =	vsub.f32 v13, v14  }
0x20: {  	v17 =	vmul.f32 s22, v17;
	v12 =	vsub.f32 v12, v15;
	v58 =	vpop (erf)  }
0x21: {  	v59 =	vmul.f32 s22, v18;
	v10 =	vsub.f32 v10, v56;
	v13 =	vmul.f32 v13, v58  }
0x22: {  	v60 =	vmul.f32 s22, v19;
	v9 =	vsub.f32 v9, v17;
	v12 =	vmul.f32 v12, v58  }
0x23: {  	v61 =	vmul.f32 s22, v20;
	v8 =	vsub.f32 v8, v59;
	v10 =	vmul.f32 v10, v58;
	[tilespmem:$0x7180] =	vst v13  }
0x24: {  	v62 =	vmul.f32 s22, v57;
	v7 =	vsub.f32 v7, v60;
	v9 =	vmul.f32 v9, v58;
	[tilespmem:$0x7190] =	vst v12  }
0x25: {  	v6 =	vsub.f32 v6, v61;
	v8 =	vmul.f32 v8, v58;
	[tilespmem:$0x71A0] =	vst v10  }
0x26: {  	v63 =	vsub.f32 v11, v62;
	v7 =	vmul.f32 v7, v58;
	[tilespmem:$0x71B0] =	vst v9  }
0x27: {  	v6 =	vmul.f32 v6, v58;
	[tilespmem:$0x71C0] =	vst v8  }
0x28: {  	s21 =	sadd.s32 $0x1, s21;
	[tilespmem:$0x71D0] =	vst v7;
	v7 =	vmul.f32 v63, v58  }
0x29: {  	p0 =	sne.s32 s21, s12;
	[tilespmem:$0x71E0] =	vst v6  }
.Ltmp1:
0x2a: {  	[tilespmem:$0x71F0] =	vst v7;
	(pc) =	sbr.rel @!p0 .LBB2_14-.Ltmp1, $4  }
0x2b: {  	[hbm4b:s11+s2] =	stream.linear.scatter [tilespmem:s20], [sflag:$0x2], $0x80, $0x38;
	[tilespmem:$0x7200] =	vst v63  }
0x2c: {  	_ =	swait.ge [sflag:s15], $0x80  }
0x2d: {  	[sflag:s15] =	ssyncset.done $0x0  }
0x2e: {  	[sflag:s15] =	ssyncadd.s32 $0xFFFFFF80  }
.LBB2_1:
0x2f: {  	[tilespmem:s2], [sflag:$0x2] =	stream.strided.gather [hbm4b:s4+s13], $0x2000, s14, s13, $0x38;
	[tilespmem:$0x7200] =	vst v63  }
0x30: {  	_ =	swait.ge [sflag:s15], $0x2000  }
0x31: {  	[sflag:s15] =	ssyncset.done $0x0  }
0x32: {  	[sflag:s15] =	ssyncadd.s32 $0xFFFFE000  }
0x33: {  	[tilespmem:s16], [sflag:$0x2] =	stream.linear.gather [hbm4b:s5+s2], $0x80, $0x38;
	[tilespmem:$0x7200] =	vst v63  }
0x34: {  	_ =	swait.ge [sflag:s15], $0x80  }
0x35: {  	[sflag:s15] =	ssyncset.done $0x0  }
0x36: {  	[sflag:s15] =	ssyncadd.s32 $0xFFFFFF80  }
0x37: {  	[tilespmem:s17], [sflag:$0x2] =	stream.linear.gather [hbm4b:s6+s2], $0x80, $0x38;
	[tilespmem:$0x7200] =	vst v63  }
0x38: {  	_ =	swait.ge [sflag:s15], $0x80  }
0x39: {  	[sflag:s15] =	ssyncset.done $0x0  }
0x3a: {  	[sflag:s15] =	ssyncadd.s32 $0xFFFFFF80  }
0x3b: {  	v8 =	vld [tilespmem:$0x70A0]  }
0x3c: {  	v7 =	vld [tilespmem:s2+$0x0]  }
0x3d: {  	v6 =	vld [tilespmem:$0x7080];
	_ =	sdelay $0x1  }
0x3e: {  	v9 =	vor.u32 s2, v0  }
0x3f: {  	vm0 =	vlt.s32 v9, v8  }
0x40: {  	v9 =	vnsel vm0, $0x807FFFFF, v7  }
0x41: {  	vm0 =	veq.s32 v9, v6  }
0x42: {  	v7 =	vsel vm0, $0x1, v5  }
0x43: {  	(xrf0) =	vadd.scan.msk.s32 $0xffff, v7;
	_ =	sdelay $0x2  }
0x44: {  	v7 =	vld [tilespmem:$0x7090];
	_ =	sdelay $0x1  }
0x45: {  	v10 =	vsel vm0, $0xFFFFFFFF, v5  }
0x46: {  	v10 =	vadd.s32 s2, v10;
	v11, _, _ =	vpop (xrf0)  }
0x47: {  	v10 =	vadd.s32 v11, v10  }
0x48: {  	vm1 =	vlt.s32 v10, v7  }
0x49: {  	vm2 =	vgt.s32 v9, v6;
	vm0 =	vmand vm0, vm1  }
0x4a: {  	vm0 =	vmor vm2, vm0  }
0x4b: {  	v9 =	vor.u32 s2, v2;
	v10 =	vsel vm0, $0x1, v5  }
0x4c: {  	(v2sf) =	vpush v11, $0xF;
	v9 =	vnsel vm0, $0x7FFFFFFF, v9;
	(xrf0) =	vadd.scan.msk.s32 $0xffff, v10  }
0x4d: {  	v10 =	vor.u32 s2, v1;
	(xrf0) =	vmax.scan.msk.u32 $0xffff, v9  }
0x4e: {  	s25 =	simm.s32 $0x10;
	[tilespmem:s2+$0x2000] =	vst.msk vm0, v10  }
0x4f: {  	v9 =	vld [tilespmem:s25+$0x0]  }
0x50: {  	v10 =	vor.u32 s25, v0;
	_ =	sdelay $0x1  }
0x51: {  	v11, _, _ =	vpop (xrf0)  }
0x52: {  	vm13 =	vlt.s32 v10, v8;
	(v2sf) =	vpush v11, $0xF;
	v10, _, _ =	vpop (xrf0)  }
0x53: {  	v9 =	vnsel vm13, $0x807FFFFF, v9;
	(v2sf) =	vpush v10, $0xF  }
0x54: {  	vm0 =	veq.s32 v9, v6  }
0x55: {  	v10 =	vsel vm0, $0x1, v5  }
0x56: {  	(xrf0) =	vadd.scan.msk.s32 $0xffff, v10;
	_ =	sdelay $0x3  }
0x57: {  	s22 =	spop (v2sf)  }
0x58: {  	v10 =	vsel vm0, $0xFFFFFFFF, v5;
	s26 =	sadd.s32 $0x0, s22  }
0x59: {  	v10 =	vadd.s32 s26, v10;
	v11, _, _ =	vpop (xrf0)  }
0x5a: {  	v10 =	vadd.s32 v11, v10  }
0x5b: {  	(v2sf) =	vpush v11, $0xF;
	vm14 =	vlt.s32 v10, v7  }
0x5c: {  	vm15 =	vgt.s32 v9, v6;
	vm0 =	vmand vm0, vm14  }
0x5d: {  	vm0 =	vmor vm15, vm0  }
0x5e: {  	v9 =	vor.u32 s25, v2;
	v10 =	vsel vm0, $0x1, v5;
	s31 =	spop (v2sf)  }
0x5f: {  	s24 =	simm.s32 $0xFFFFFFFF;
	v9 =	vnsel vm0, $0x7FFFFFFF, v9;
	(xrf0) =	vadd.scan.msk.s32 $0xffff, v10;
	v10 =	vor.u32 s25, v1;
	s22 =	sadd.s32 $0x0, s31;
	s29 =	spop (v2sf)  }
0x60: {  	s23 =	simm.s32 $0x20;
	s28 =	simm.s32 $0x30;
	(xrf0) =	vmax.scan.msk.u32 $0xffff, v9;
	[tilespmem:s22+$0x2000] =	vst.msk vm0, v10;
	s29 =	sxor.u32 $0x80000000, s29  }
.LBB2_2:
0x61: {  	s30 =	smov.u32 s24;
	p0 =	sne.s32 s28, $0x1FF0  }
0x62: {  	s25 =	sadd.s32 $0x10, s25;
	p1 =	sgt.s32 s24, s29;
	s24 =	smov.u32 s29  }
0x63: {  	s24 =	smov.u32 @p1 s30;
	v9 =	vld [tilespmem:s25+$0x0];
	_ =	sdelay $0x2  }
0x64: {  	v12 =	vor.u32 s23, v0;
	v11, _, _ =	vpop (xrf0)  }
0x65: {  	vm0 =	vlt.s32 v12, v8;
	(v2sf) =	vpush v11, $0xF;
	v10, _, _ =	vpop (xrf0)  }
0x66: {  	v9 =	vnsel vm0, $0x807FFFFF, v9;
	(v2sf) =	vpush v10, $0xF  }
0x67: {  	vm0 =	vgt.s32 v9, v6;
	vm1 =	veq.s32 v9, v6  }
0x68: {  	v9 =	vsel vm1, $0xFFFFFFFF, v5;
	v10 =	vsel vm1, $0x1, v5;
	s29 =	spop (v2sf)  }
0x69: {  	(xrf0) =	vadd.scan.msk.s32 $0xffff, v10;
	s26 =	sadd.s32 s26, s29;
	_ =	sdelay $0x5  }
0x6a: {  	v9 =	vadd.s32 s26, v9;
	v10, _, _ =	vpop (xrf0)  }
0x6b: {  	v9 =	vadd.s32 v10, v9;
	(v2sf) =	vpush v10, $0xF  }
0x6c: {  	vm2 =	vlt.s32 v9, v7  }
.Ltmp2:
0x6d: {  	vm1 =	vmand vm1, vm2;
	(pc) =	sbr.rel @p0 .LBB2_2-.Ltmp2, $4  }
0x6e: {  	v9 =	vor.u32 s23, v2;
	vm0 =	vmor vm0, vm1  }
0x6f: {  	v10 =	vsel vm0, $0x1, v5;
	v9 =	vnsel vm0, $0x7FFFFFFF, v9;
	s29 =	spop (v2sf)  }
0x70: {  	v11 =	vor.u32 s23, v1;
	s23 =	smov.u32 s28;
	(xrf0) =	vadd.scan.msk.s32 $0xffff, v10;
	s22 =	sadd.s32 s22, s29;
	s29 =	spop (v2sf)  }
0x71: {  	s28 =	sadd.s32 $0x10, s28;
	[tilespmem:s22+$0x2000] =	vst.msk vm0, v11;
	(xrf0) =	vmax.scan.msk.u32 $0xffff, v9;
	s29 =	sxor.u32 $0x80000000, s29  }
0x72: {  	s25 =	sadd.s32 $0x10, s25  }
0x73: {  	v9 =	vld [tilespmem:s25+$0x0];
	_ =	sdelay $0x2  }
0x74: {  	v10 =	vor.u32 s23, v0  }
0x75: {  	vm0 =	vlt.s32 v10, v8  }
0x76: {  	v8 =	vnsel vm0, $0x807FFFFF, v9  }
0x77: {  	vm0 =	veq.s32 v8, v6  }
0x78: {  	v9 =	vsel vm0, $0x1, v5  }
0x79: {  	(xrf0) =	vadd.scan.msk.s32 $0xffff, v9;
	_ =	sdelay $0x3  }
0x7a: {  	s28 =	spop (v2sf);
	v9, _, _ =	vpop (xrf0)  }
0x7b: {  	v11 =	vsel vm0, $0xFFFFFFFF, v5;
	s25 =	sadd.s32 s26, s28;
	v10, _, _ =	vpop (xrf0)  }
0x7c: {  	v11 =	vadd.s32 s25, v11;
	v12, _, _ =	vpop (xrf0)  }
0x7d: {  	v11 =	vadd.s32 v12, v11  }
0x7e: {  	vm1 =	vlt.s32 v11, v7  }
0x7f: {  	vm2 =	vgt.s32 v8, v6;
	vm0 =	vmand vm0, vm1  }
0x80: {  	vm0 =	vmor vm2, vm0  }
0x81: {  	v6 =	vor.u32 s23, v2;
	v7 =	vsel vm0, $0x1, v5  }
0x82: {  	v6 =	vnsel vm0, $0x7FFFFFFF, v6;
	(xrf0) =	vadd.scan.msk.s32 $0xffff, v7  }
0x83: {  	(xrf0) =	vmax.scan.msk.u32 $0xffff, v6;
	_ =	sdelay $0x2  }
0x84: {  	(v2sf) =	vpush v9, $0xF  }
0x85: {  	(v2sf) =	vpush v10, $0xF  }
0x86: {  	(v2sf) =	vpush v12, $0xF;
	v6, _, _ =	vpop (xrf0)  }
0x87: {  	(v2sf) =	vpush v6, $0xF;
	v6, _, _ =	vpop (xrf0)  }
0x88: {  	(v2sf) =	vpush v6, $0xF;
	_ =	sdelay $0xa  }
0x89: {  	s25 =	spop (v2sf)  }
0x8a: {  	s30 =	spop (v2sf)  }
0x8b: {  	p0 =	sgt.s32 s24, s29;
	s28 =	spop (v2sf)  }
0x8c: {  	s29 =	smov.u32 @p0 s24;
	s24 =	sxor.u32 $0x80000000, s30;
	s31 =	spop (v2sf)  }
0x8d: {  	p0 =	sgt.s32 s29, s24;
	s28 =	spop (v2sf)  }
0x8e: {  	s24 =	smov.u32 @p0 s29;
	s28 =	sxor.u32 $0x80000000, s28  }
0x8f: {  	s25 =	sadd.s32 s22, s25;
	p0 =	sgt.s32 s24, s28  }
0x90: {  	s22 =	sadd.s32 s25, s31;
	s28 =	smov.u32 @p0 s24  }
0x91: {  	v10 =	vmov s28;
	s28 =	sadd.s32 $0x7F, s22  }
0x92: {  	s29 =	sand.u32 $0x7F, s28  }
0x93: {  	s30 =	sshra.s32 s28, $0x1F;
	p6 =	slt.s32 s28, $0x1;
	p1 =	sne.s32 s29, $0x0  }
0x94: {  	v6 =	vor.u32 s23, v1;
	s31 =	sshrl.u32 s30, $0x19;
	p0 =	por !p6, !p1  }
0x95: {  	[tilespmem:s25+$0x2000] =	vst.msk vm0, v6;
	s24 =	simm.s32 $0x1;
	s23 =	sadd.s32 s31, s28;
	p0 =	por !p0, !p0  }
0x96: {  	[tilespmem:s22+$0x2000] =	vst v10;
	s23 =	sshra.s32 s23, $0x7;
	s24 =	simm.s32 @!p0 $0x0  }
0x97: {  	[tilespmem:s22+$0x2010] =	vst v10;
	s23 =	ssub.s32 s23, s24  }
0x98: {  	[tilespmem:s22+$0x2020] =	vst v10;
	p0 =	slt.s32 s23, $0x1  }
.Ltmp3:
0x99: {  	[tilespmem:s22+$0x2030] =	vst v10;
	(pc) =	sbr.rel @p0 .LBB2_7-.Ltmp3, $4  }
0x9a: {  	[tilespmem:s22+$0x2040] =	vst v10  }
0x9b: {  	v13 =	vimm.f32 $0.0e+00;
	v8 =	vimm.f32 $0.0e+00;
	[tilespmem:s22+$0x2050] =	vst v10  }
0x9c: {  	v9 =	vimm.f32 $0.0e+00;
	v12 =	vimm.f32 $0.0e+00;
	v11 =	vimm.f32 $0.0e+00;
	[tilespmem:s22+$0x2060] =	vst v10  }
0x9d: {  	v7 =	vimm.f32 $0.0e+00;
	v6 =	vimm.f32 $0.0e+00;
	[tilespmem:s22+$0x2070] =	vst v10;
	v10 =	vimm.f32 $0.0e+00;
	s24 =	simm.s32 $0x0  }
.LBB2_4:
0x9e: {  	s25 =	sshll.u32 s24, $0x9  }
0x9f: {  	s25 =	sshra.s32 s25, $0x2  }
0xa0: {  	s25 =	sadd.s32 $0x2000, s25  }
0xa1: {  	[tilespmem:s19], [sflag:$0x1] =	stream.indirect.gather [hbm4b:s1+s13], $0x80, s25, s13, $0xb8;
	[tilespmem:$0x7200] =	vst v63  }
0xa2: {  	_ =	swait.ge [sflag:s18], $0x4000  }
0xa3: {  	[sflag:s18] =	ssyncset.done $0x0  }
0xa4: {  	s28 =	simm.s32 $0x0;
	[sflag:s18] =	ssyncadd.s32 $0xFFFFC000  }
0xa5: {  	v17 =	vld [tilespmem:s28+$0x30F0]  }
0xa6: {  	v18 =	vld [tilespmem:s28+$0x3080]  }
0xa7: {  	v19 =	vld [tilespmem:s28+$0x3090]  }
0xa8: {  	v16 =	vld [tilespmem:s28+$0x30A0]  }
0xa9: {  	v14 =	vld [tilespmem:s28+$0x30B0]  }
0xaa: {  	v15 =	vld [tilespmem:s28+$0x30C0]  }
0xab: {  	v11 =	vadd.f32 v17, v11;
	v17 =	vld [tilespmem:s28+$0x30D0]  }
0xac: {  	s26 =	simm.s32 $0x400;
	s25 =	simm.s32 $0x80;
	v13 =	vadd.f32 v18, v13;
	v12 =	vadd.f32 v19, v12;
	v18 =	vld [tilespmem:s28+$0x30E0]  }
.LBB2_5:
0xad: {  	p0 =	sne.s32 s26, $0xFE00;
	v19 =	vld [tilespmem:s25+$0x30F0];
	v10 =	vadd.f32 v16, v10  }
0xae: {  	v20 =	vld [tilespmem:s25+$0x3080];
	v9 =	vadd.f32 v14, v9  }
0xaf: {  	v21 =	vld [tilespmem:s25+$0x3090];
	v8 =	vadd.f32 v15, v8  }
.Ltmp4:
0xb0: {  	v16 =	vld [tilespmem:s25+$0x30A0];
	v7 =	vadd.f32 v17, v7;
	(pc) =	sbr.rel @p0 .LBB2_5-.Ltmp4, $4  }
0xb1: {  	v14 =	vld [tilespmem:s25+$0x30B0];
	v6 =	vadd.f32 v18, v6  }
0xb2: {  	v15 =	vld [tilespmem:s25+$0x30C0];
	v11 =	vadd.f32 v19, v11  }
0xb3: {  	v13 =	vadd.f32 v20, v13;
	v17 =	vld [tilespmem:s25+$0x30D0]  }
0xb4: {  	v12 =	vadd.f32 v21, v12;
	v18 =	vld [tilespmem:s25+$0x30E0];
	s25 =	sshra.s32 s26, $0x2;
	s26 =	sadd.s32 $0x200, s26  }
0xb5: {  	v19 =	vld [tilespmem:s25+$0x30F0]  }
0xb6: {  	v20 =	vld [tilespmem:s25+$0x3080]  }
0xb7: {  	v21 =	vld [tilespmem:s25+$0x3090]  }
0xb8: {  	v22 =	vld [tilespmem:s25+$0x30A0]  }
0xb9: {  	v23 =	vld [tilespmem:s25+$0x30B0]  }
0xba: {  	v24 =	vld [tilespmem:s25+$0x30C0]  }
0xbb: {  	v10 =	vadd.f32 v16, v10;
	v63 =	vld [tilespmem:s25+$0x30D0];
	s24 =	sadd.s32 $0x1, s24  }
0xbc: {  	v9 =	vadd.f32 v14, v9;
	v14 =	vld [tilespmem:s25+$0x30E0];
	p0 =	sne.s32 s24, s23;
	v8 =	vadd.f32 v15, v8  }
.Ltmp5:
0xbd: {  	v7 =	vadd.f32 v17, v7;
	v6 =	vadd.f32 v18, v6;
	(pc) =	sbr.rel @p0 .LBB2_4-.Ltmp5, $4  }
0xbe: {  	v11 =	vadd.f32 v19, v11;
	v13 =	vadd.f32 v20, v13  }
0xbf: {  	v12 =	vadd.f32 v21, v12;
	v10 =	vadd.f32 v22, v10  }
0xc0: {  	v9 =	vadd.f32 v23, v9;
	v8 =	vadd.f32 v24, v8  }
0xc1: {  	v7 =	vadd.f32 v63, v7;
	v6 =	vadd.f32 v14, v6  }
.LBB2_7:
0xc2: {  	v14 =	vld [tilespmem:$0x7100];
	_ =	sdelay $0x4  }
0xc3: {  	(erf) = vrcp.f32 v14  }
0xc4: {  	v55 =	vld [tilespmem:$0x7000]  }
0xc5: {  	s23 =	sshll.u32 s23, $0x7;
	v15 =	vld [tilespmem:$0x7010]  }
0xc6: {  	v16 =	vld [tilespmem:$0x7020];
	s22 =	ssub.s32 s23, s22  }
0xc7: {  	v17 =	vld [tilespmem:$0x7030];
	s22 =	scvt.s32.f32 s22  }
0xc8: {  	v18 =	vld [tilespmem:$0x7040]  }
0xc9: {  	v19 =	vld [tilespmem:$0x7050];
	v14 =	vmul.f32 s22, v55  }
0xca: {  	v20 =	vld [tilespmem:$0x7060];
	v15 =	vmul.f32 s22, v15  }
0xcb: {  	v57 =	vld [tilespmem:$0x7070];
	v56 =	vmul.f32 s22, v16;
	v13 =	vsub.f32 v13, v14  }
0xcc: {  	v17 =	vmul.f32 s22, v17;
	v12 =	vsub.f32 v12, v15;
	v58 =	vpop (erf)  }
0xcd: {  	v59 =	vmul.f32 s22, v18;
	v10 =	vsub.f32 v10, v56;
	v13 =	vmul.f32 v13, v58  }
0xce: {  	v60 =	vmul.f32 s22, v19;
	v9 =	vsub.f32 v9, v17;
	v12 =	vmul.f32 v12, v58  }
0xcf: {  	v61 =	vmul.f32 s22, v20;
	v8 =	vsub.f32 v8, v59;
	v10 =	vmul.f32 v10, v58;
	[tilespmem:$0x7180] =	vst v13  }
0xd0: {  	v62 =	vmul.f32 s22, v57;
	v7 =	vsub.f32 v7, v60;
	v9 =	vmul.f32 v9, v58;
	[tilespmem:$0x7190] =	vst v12  }
0xd1: {  	v6 =	vsub.f32 v6, v61;
	v8 =	vmul.f32 v8, v58;
	[tilespmem:$0x71A0] =	vst v10  }
0xd2: {  	v7 =	vmul.f32 v7, v58;
	[tilespmem:$0x71B0] =	vst v9;
	v9 =	vsub.f32 v11, v62  }
0xd3: {  	v6 =	vmul.f32 v6, v58;
	[tilespmem:$0x71C0] =	vst v8  }
0xd4: {  	[tilespmem:$0x71D0] =	vst v7;
	v7 =	vmul.f32 v9, v58  }
0xd5: {  	[tilespmem:$0x71E0] =	vst v6  }
0xd6: {  	s26 =	simm.s32 $0x0;
	[tilespmem:$0x71F0] =	vst v7  }
0xd7: {  	[hbm4b:s7+s26] =	stream.linear.scatter [tilespmem:s20], [sflag:$0x2], $0x80, $0x38;
	[tilespmem:$0x7200] =	vst v63  }
0xd8: {  	_ =	swait.ge [sflag:s15], $0x80  }
0xd9: {  	[sflag:s15] =	ssyncset.done $0x0  }
0xda: {  	[sflag:s15] =	ssyncadd.s32 $0xFFFFFF80  }
0xdb: {  	[tilespmem:s26], [sflag:$0x2] =	stream.strided.gather [hbm4b:s8+s13], $0x2000, s14, s13, $0x38;
	[tilespmem:$0x7200] =	vst v63  }
0xdc: {  	_ =	swait.ge [sflag:s15], $0x2000  }
0xdd: {  	[sflag:s15] =	ssyncset.done $0x0  }
0xde: {  	[sflag:s15] =	ssyncadd.s32 $0xFFFFE000  }
0xdf: {  	[tilespmem:s16], [sflag:$0x2] =	stream.linear.gather [hbm4b:s9+s26], $0x80, $0x38;
	[tilespmem:$0x7200] =	vst v63  }
0xe0: {  	_ =	swait.ge [sflag:s15], $0x80  }
0xe1: {  	[sflag:s15] =	ssyncset.done $0x0  }
0xe2: {  	[sflag:s15] =	ssyncadd.s32 $0xFFFFFF80  }
0xe3: {  	[tilespmem:s17], [sflag:$0x2] =	stream.linear.gather [hbm4b:s10+s26], $0x80, $0x38;
	[tilespmem:$0x7200] =	vst v63  }
0xe4: {  	_ =	swait.ge [sflag:s15], $0x80  }
0xe5: {  	[sflag:s15] =	ssyncset.done $0x0  }
0xe6: {  	[sflag:s15] =	ssyncadd.s32 $0xFFFFFF80  }
0xe7: {  	v8 =	vld [tilespmem:$0x70A0]  }
0xe8: {  	v7 =	vld [tilespmem:s26+$0x0]  }
0xe9: {  	v6 =	vld [tilespmem:$0x7080];
	_ =	sdelay $0x1  }
0xea: {  	v9 =	vor.u32 s26, v0  }
0xeb: {  	vm0 =	vlt.s32 v9, v8  }
0xec: {  	v9 =	vnsel vm0, $0x807FFFFF, v7  }
0xed: {  	vm0 =	veq.s32 v9, v6  }
0xee: {  	v7 =	vsel vm0, $0x1, v5  }
0xef: {  	(xrf0) =	vadd.scan.msk.s32 $0xffff, v7;
	_ =	sdelay $0x2  }
0xf0: {  	v7 =	vld [tilespmem:$0x7090];
	_ =	sdelay $0x1  }
0xf1: {  	v10 =	vsel vm0, $0xFFFFFFFF, v5  }
0xf2: {  	v10 =	vadd.s32 s26, v10;
	v11, _, _ =	vpop (xrf0)  }
0xf3: {  	v10 =	vadd.s32 v11, v10  }
0xf4: {  	vm1 =	vlt.s32 v10, v7  }
0xf5: {  	vm2 =	vgt.s32 v9, v6;
	vm0 =	vmand vm0, vm1  }
0xf6: {  	vm0 =	vmor vm2, vm0  }
0xf7: {  	v9 =	vor.u32 s26, v4;
	v10 =	vsel vm0, $0x1, v5  }
0xf8: {  	(v2sf) =	vpush v11, $0xF;
	v9 =	vnsel vm0, $0x7FFFFFFF, v9;
	(xrf0) =	vadd.scan.msk.s32 $0xffff, v10  }
0xf9: {  	v10 =	vor.u32 s26, v3;
	(xrf0) =	vmax.scan.msk.u32 $0xffff, v9  }
0xfa: {  	s25 =	simm.s32 $0x10;
	[tilespmem:s26+$0x2000] =	vst.msk vm0, v10  }
0xfb: {  	v9 =	vld [tilespmem:s25+$0x0]  }
0xfc: {  	v10 =	vor.u32 s25, v0;
	_ =	sdelay $0x1  }
0xfd: {  	v11, _, _ =	vpop (xrf0)  }
0xfe: {  	vm13 =	vlt.s32 v10, v8;
	(v2sf) =	vpush v11, $0xF;
	v10, _, _ =	vpop (xrf0)  }
0xff: {  	v9 =	vnsel vm13, $0x807FFFFF, v9;
	(v2sf) =	vpush v10, $0xF  }
0x100: {  	vm0 =	veq.s32 v9, v6  }
0x101: {  	v10 =	vsel vm0, $0x1, v5  }
0x102: {  	(xrf0) =	vadd.scan.msk.s32 $0xffff, v10;
	_ =	sdelay $0x3  }
0x103: {  	s30 =	spop (v2sf)  }
0x104: {  	v10 =	vsel vm0, $0xFFFFFFFF, v5;
	s26 =	sadd.s32 $0x0, s30  }
0x105: {  	v10 =	vadd.s32 s26, v10;
	v11, _, _ =	vpop (xrf0)  }
0x106: {  	v10 =	vadd.s32 v11, v10  }
0x107: {  	(v2sf) =	vpush v11, $0xF;
	vm14 =	vlt.s32 v10, v7  }
0x108: {  	vm15 =	vgt.s32 v9, v6;
	vm0 =	vmand vm0, vm14  }
0x109: {  	vm0 =	vmor vm15, vm0  }
0x10a: {  	v9 =	vor.u32 s25, v4;
	v10 =	vsel vm0, $0x1, v5;
	s31 =	spop (v2sf)  }
0x10b: {  	s24 =	simm.s32 $0xFFFFFFFF;
	v63 =	vor.u32 s25, v3;
	v9 =	vnsel vm0, $0x7FFFFFFF, v9;
	(xrf0) =	vadd.scan.msk.s32 $0xffff, v10;
	s22 =	sadd.s32 $0x0, s31;
	s29 =	spop (v2sf)  }
0x10c: {  	s28 =	simm.s32 $0x30;
	s23 =	simm.s32 $0x20;
	(xrf0) =	vmax.scan.msk.u32 $0xffff, v9;
	[tilespmem:s22+$0x2000] =	vst.msk vm0, v63;
	s29 =	sxor.u32 $0x80000000, s29  }
.LBB2_8:
0x10d: {  	s30 =	smov.u32 s24;
	p0 =	sne.s32 s28, $0x1FF0  }
0x10e: {  	s25 =	sadd.s32 $0x10, s25;
	p1 =	sgt.s32 s24, s29;
	s24 =	smov.u32 s29  }
0x10f: {  	s24 =	smov.u32 @p1 s30;
	v9 =	vld [tilespmem:s25+$0x0];
	_ =	sdelay $0x2  }
0x110: {  	v12 =	vor.u32 s23, v0;
	v11, _, _ =	vpop (xrf0)  }
0x111: {  	vm0 =	vlt.s32 v12, v8;
	(v2sf) =	vpush v11, $0xF;
	v10, _, _ =	vpop (xrf0)  }
0x112: {  	v9 =	vnsel vm0, $0x807FFFFF, v9;
	(v2sf) =	vpush v10, $0xF  }
0x113: {  	vm0 =	vgt.s32 v9, v6;
	vm1 =	veq.s32 v9, v6  }
0x114: {  	v9 =	vsel vm1, $0xFFFFFFFF, v5;
	v10 =	vsel vm1, $0x1, v5;
	s29 =	spop (v2sf)  }
0x115: {  	(xrf0) =	vadd.scan.msk.s32 $0xffff, v10;
	s26 =	sadd.s32 s26, s29;
	_ =	sdelay $0x5  }
0x116: {  	v9 =	vadd.s32 s26, v9;
	v10, _, _ =	vpop (xrf0)  }
0x117: {  	v9 =	vadd.s32 v10, v9;
	(v2sf) =	vpush v10, $0xF  }
0x118: {  	vm2 =	vlt.s32 v9, v7  }
.Ltmp6:
0x119: {  	vm1 =	vmand vm1, vm2;
	(pc) =	sbr.rel @p0 .LBB2_8-.Ltmp6, $4  }
0x11a: {  	v9 =	vor.u32 s23, v4;
	vm0 =	vmor vm0, vm1  }
0x11b: {  	v10 =	vsel vm0, $0x1, v5;
	v9 =	vnsel vm0, $0x7FFFFFFF, v9;
	s29 =	spop (v2sf)  }
0x11c: {  	v11 =	vor.u32 s23, v3;
	s23 =	smov.u32 s28;
	(xrf0) =	vadd.scan.msk.s32 $0xffff, v10;
	s22 =	sadd.s32 s22, s29;
	s29 =	spop (v2sf)  }
0x11d: {  	s28 =	sadd.s32 $0x10, s28;
	[tilespmem:s22+$0x2000] =	vst.msk vm0, v11;
	(xrf0) =	vmax.scan.msk.u32 $0xffff, v9;
	s29 =	sxor.u32 $0x80000000, s29  }
0x11e: {  	s25 =	sadd.s32 $0x10, s25  }
0x11f: {  	v9 =	vld [tilespmem:s25+$0x0];
	_ =	sdelay $0x2  }
0x120: {  	v10 =	vor.u32 s23, v0  }
0x121: {  	vm0 =	vlt.s32 v10, v8  }
0x122: {  	v8 =	vnsel vm0, $0x807FFFFF, v9  }
0x123: {  	vm0 =	veq.s32 v8, v6  }
0x124: {  	v9 =	vsel vm0, $0x1, v5  }
0x125: {  	(xrf0) =	vadd.scan.msk.s32 $0xffff, v9;
	_ =	sdelay $0x3  }
0x126: {  	s28 =	spop (v2sf);
	v9, _, _ =	vpop (xrf0)  }
0x127: {  	v11 =	vsel vm0, $0xFFFFFFFF, v5;
	s25 =	sadd.s32 s26, s28;
	v10, _, _ =	vpop (xrf0)  }
0x128: {  	v11 =	vadd.s32 s25, v11;
	v12, _, _ =	vpop (xrf0)  }
0x129: {  	v11 =	vadd.s32 v12, v11  }
0x12a: {  	vm1 =	vlt.s32 v11, v7  }
0x12b: {  	vm2 =	vgt.s32 v8, v6;
	vm0 =	vmand vm0, vm1  }
0x12c: {  	vm0 =	vmor vm2, vm0  }
0x12d: {  	v6 =	vor.u32 s23, v4;
	v7 =	vsel vm0, $0x1, v5  }
0x12e: {  	v6 =	vnsel vm0, $0x7FFFFFFF, v6;
	(xrf0) =	vadd.scan.msk.s32 $0xffff, v7  }
0x12f: {  	(xrf0) =	vmax.scan.msk.u32 $0xffff, v6;
	_ =	sdelay $0x2  }
0x130: {  	(v2sf) =	vpush v9, $0xF  }
0x131: {  	(v2sf) =	vpush v10, $0xF  }
0x132: {  	(v2sf) =	vpush v12, $0xF;
	v6, _, _ =	vpop (xrf0)  }
0x133: {  	(v2sf) =	vpush v6, $0xF;
	v6, _, _ =	vpop (xrf0)  }
0x134: {  	(v2sf) =	vpush v6, $0xF;
	_ =	sdelay $0xa  }
0x135: {  	s25 =	spop (v2sf)  }
0x136: {  	s30 =	spop (v2sf)  }
0x137: {  	p0 =	sgt.s32 s24, s29;
	s28 =	spop (v2sf)  }
0x138: {  	s29 =	smov.u32 @p0 s24;
	s24 =	sxor.u32 $0x80000000, s30;
	s31 =	spop (v2sf)  }
0x139: {  	p0 =	sgt.s32 s29, s24;
	s28 =	spop (v2sf)  }
0x13a: {  	s24 =	smov.u32 @p0 s29;
	s28 =	sxor.u32 $0x80000000, s28  }
0x13b: {  	s25 =	sadd.s32 s22, s25;
	p0 =	sgt.s32 s24, s28  }
0x13c: {  	s22 =	sadd.s32 s25, s31;
	s28 =	smov.u32 @p0 s24  }
0x13d: {  	v10 =	vmov s28;
	s28 =	sadd.s32 $0x7F, s22  }
0x13e: {  	s29 =	sand.u32 $0x7F, s28  }
0x13f: {  	s30 =	sshra.s32 s28, $0x1F;
	p6 =	slt.s32 s28, $0x1;
	p1 =	sne.s32 s29, $0x0  }
0x140: {  	v6 =	vor.u32 s23, v3;
	s31 =	sshrl.u32 s30, $0x19;
	p0 =	por !p6, !p1  }
0x141: {  	[tilespmem:s25+$0x2000] =	vst.msk vm0, v6;
	s24 =	simm.s32 $0x1;
	s23 =	sadd.s32 s31, s28;
	p0 =	por !p0, !p0  }
0x142: {  	[tilespmem:s22+$0x2000] =	vst v10;
	s23 =	sshra.s32 s23, $0x7;
	s24 =	simm.s32 @!p0 $0x0  }
0x143: {  	[tilespmem:s22+$0x2010] =	vst v10;
	s23 =	ssub.s32 s23, s24  }
0x144: {  	[tilespmem:s22+$0x2020] =	vst v10;
	p0 =	slt.s32 s23, $0x1  }
.Ltmp7:
0x145: {  	[tilespmem:s22+$0x2030] =	vst v10;
	(pc) =	sbr.rel @p0 .LBB2_13-.Ltmp7, $4  }
0x146: {  	[tilespmem:s22+$0x2040] =	vst v10  }
0x147: {  	v13 =	vimm.f32 $0.0e+00;
	v8 =	vimm.f32 $0.0e+00;
	[tilespmem:s22+$0x2050] =	vst v10  }
0x148: {  	v9 =	vimm.f32 $0.0e+00;
	v12 =	vimm.f32 $0.0e+00;
	v11 =	vimm.f32 $0.0e+00;
	[tilespmem:s22+$0x2060] =	vst v10  }
0x149: {  	v7 =	vimm.f32 $0.0e+00;
	v6 =	vimm.f32 $0.0e+00;
	[tilespmem:s22+$0x2070] =	vst v10;
	v10 =	vimm.f32 $0.0e+00;
	s24 =	simm.s32 $0x0  }
.LBB2_10:
0x14a: {  	s25 =	sshll.u32 s24, $0x9  }
0x14b: {  	s25 =	sshra.s32 s25, $0x2  }
0x14c: {  	s25 =	sadd.s32 $0x2000, s25  }
0x14d: {  	[tilespmem:s19], [sflag:$0x1] =	stream.indirect.gather [hbm4b:s1+s13], $0x80, s25, s13, $0xb8;
	[tilespmem:$0x7200] =	vst v63  }
0x14e: {  	_ =	swait.ge [sflag:s18], $0x4000  }
0x14f: {  	[sflag:s18] =	ssyncset.done $0x0  }
0x150: {  	s28 =	simm.s32 $0x0;
	[sflag:s18] =	ssyncadd.s32 $0xFFFFC000  }
0x151: {  	v17 =	vld [tilespmem:s28+$0x30F0]  }
0x152: {  	v18 =	vld [tilespmem:s28+$0x3080]  }
0x153: {  	v19 =	vld [tilespmem:s28+$0x3090]  }
0x154: {  	v16 =	vld [tilespmem:s28+$0x30A0]  }
0x155: {  	v14 =	vld [tilespmem:s28+$0x30B0]  }
0x156: {  	v15 =	vld [tilespmem:s28+$0x30C0]  }
0x157: {  	v11 =	vadd.f32 v17, v11;
	v17 =	vld [tilespmem:s28+$0x30D0]  }
0x158: {  	s26 =	simm.s32 $0x400;
	s25 =	simm.s32 $0x80;
	v13 =	vadd.f32 v18, v13;
	v12 =	vadd.f32 v19, v12;
	v18 =	vld [tilespmem:s28+$0x30E0]  }
.LBB2_11:
0x159: {  	p0 =	sne.s32 s26, $0xFE00;
	v19 =	vld [tilespmem:s25+$0x30F0];
	v10 =	vadd.f32 v16, v10  }
0x15a: {  	v20 =	vld [tilespmem:s25+$0x3080];
	v9 =	vadd.f32 v14, v9  }
0x15b: {  	v21 =	vld [tilespmem:s25+$0x3090];
	v8 =	vadd.f32 v15, v8  }
.Ltmp8:
0x15c: {  	v16 =	vld [tilespmem:s25+$0x30A0];
	v7 =	vadd.f32 v17, v7;
	(pc) =	sbr.rel @p0 .LBB2_11-.Ltmp8, $4  }
0x15d: {  	v14 =	vld [tilespmem:s25+$0x30B0];
	v6 =	vadd.f32 v18, v6  }
0x15e: {  	v15 =	vld [tilespmem:s25+$0x30C0];
	v11 =	vadd.f32 v19, v11  }
0x15f: {  	v13 =	vadd.f32 v20, v13;
	v17 =	vld [tilespmem:s25+$0x30D0]  }
0x160: {  	v12 =	vadd.f32 v21, v12;
	v18 =	vld [tilespmem:s25+$0x30E0];
	s25 =	sshra.s32 s26, $0x2;
	s26 =	sadd.s32 $0x200, s26  }
0x161: {  	v19 =	vld [tilespmem:s25+$0x30F0]  }
0x162: {  	v20 =	vld [tilespmem:s25+$0x3080]  }
0x163: {  	v21 =	vld [tilespmem:s25+$0x3090]  }
0x164: {  	v22 =	vld [tilespmem:s25+$0x30A0]  }
0x165: {  	v23 =	vld [tilespmem:s25+$0x30B0]  }
0x166: {  	v24 =	vld [tilespmem:s25+$0x30C0]  }
0x167: {  	v10 =	vadd.f32 v16, v10;
	v63 =	vld [tilespmem:s25+$0x30D0];
	s24 =	sadd.s32 $0x1, s24  }
0x168: {  	v9 =	vadd.f32 v14, v9;
	v14 =	vld [tilespmem:s25+$0x30E0];
	p0 =	sne.s32 s24, s23;
	v8 =	vadd.f32 v15, v8  }
.Ltmp9:
0x169: {  	v7 =	vadd.f32 v17, v7;
	v6 =	vadd.f32 v18, v6;
	(pc) =	sbr.rel @p0 .LBB2_10-.Ltmp9, $4  }
.Ltmp10:
0x16a: {  	v11 =	vadd.f32 v19, v11;
	v13 =	vadd.f32 v20, v13;
	(pc) =	sbr.rel @!p0 .LBB2_13-.Ltmp10, $4  }
0x16b: {  	v12 =	vadd.f32 v21, v12;
	v10 =	vadd.f32 v22, v10  }
0x16c: {  	v9 =	vadd.f32 v23, v9;
	v8 =	vadd.f32 v24, v8  }
0x16d: {  	v7 =	vadd.f32 v63, v7;
	v6 =	vadd.f32 v14, v6  }
0x16e: {  	_ = 	snop  }
.LBB2_14:
0x16f: {  	_ =	sfence.sel $0x180000  }
0x170: {  	[bflag:$0x0] =	sbarrier.arrive $0xFFFF  }
0x171: {  	p0 =	sne.s32 s3, $0x0;
	_ =	strace $0x90000047  }
0x172: {  	s0 =	sadd.s32 @!p0 $0x100000, s0;
	[bflag:$0x2] =	sbarrier.arrive $0xFFFF  }
0x173: {  	[sflag:s0] =	ssyncadd.tile.s32 @!p0 $0x1;
	_ =	shalt  }
.Lfunc_end2:
_tile_overlayer_lowered:
.L_overlay_start_2:
0x174: {  	(tag) =	ssettag $0x2  }
0x175: {  	s0 =	rddreg [dreg:$0x0];
	s2 =	stileid.u32  }
0x176: {  	s1 =	rddreg [dreg:$0x1];
	p0 =	sne.s32 s2, $0x0  }
0x177: {  	s3 =	rddreg [dreg:$0x2];
	[bflag:$0x3] =	sbarrier.arrive $0xFFFF;
	s2 =	simm.s32 @!p0 $0x1C02  }
0x178: {  	[timem:s3], [sflag:s2] =	dma.local @!p0 [hbm:s0], s1  }
0x179: {  	s0 =	simm.s32 @!p0 $0x2  }
0x17a: {  	_ =	swait.ge @!p0 [sflag:s0], s1  }
0x17b: {  	s1 =	ssub.s32 @!p0 $0x0, s1;
	[sflag:s0] =	ssyncset.done @!p0 $0x0  }
0x17c: {  	[sflag:s0] =	ssyncadd.s32 @!p0 s1  }
0x17d: {  	[bflag:$0x3] =	sbarrier.arrive $0xFFFF  }
0x17e: {  	_ =	shalt  }

</sc_bundles>
